<compile_context>
chip_gen: v7x
topology: tpu7x:2x2x1
jax: 0.10.2.dev20260603
libtpu: 0.0.44.dev20260713+nightly
codegen_flags: <defaults>
</compile_context>

<pallas_src>
import functools

import jax
import jax.numpy as jnp
from jax import lax
from jax.experimental import pallas as pl
from jax.experimental.pallas import tpu as pltpu
from jax.experimental.pallas import tpu_sc as plsc

_NUM_SC = 2
_NUM_TILES = 16


def _sc_mesh():
    return plsc.VectorSubcoreMesh(
        core_axis_name="c", subcore_axis_name="s",
        num_cores=_NUM_SC, num_subcores=_NUM_TILES)



def _sc_gather(pre1, pre2, src, dst):
    N, HP = pre1.shape
    E = src.shape[0]
    NW = _NUM_SC * _NUM_TILES
    ept = E // NW
    G = 40
    nloc = ept // G
    npair = nloc // 2

    @functools.partial(
        pl.kernel,
        out_type=[jax.ShapeDtypeStruct((E, HP), jnp.int32),
                  jax.ShapeDtypeStruct((E, HP), jnp.int32)],
        mesh=_sc_mesh(),
        scratch_types=[
            pltpu.VMEM((ept,), jnp.int32),
            pltpu.VMEM((ept,), jnp.int32),
            pltpu.VMEM((G, HP), jnp.int32),
            pltpu.VMEM((G, HP), jnp.int32),
            pltpu.VMEM((G, HP), jnp.int32),
            pltpu.VMEM((G, HP), jnp.int32),
            pltpu.SemaphoreType.DMA,
            pltpu.SemaphoreType.DMA,
        ],
    )
    def gath(pre1_h, pre2_h, src_h, dst_h, g1_h, g2_h,
             src_v, dst_v, r1a, r2a, r1b, r2b, gsem, wsem):
        wid = lax.axis_index("s") * _NUM_SC + lax.axis_index("c")
        tb = wid * ept
        pltpu.sync_copy(src_h.at[pl.ds(tb, ept)], src_v)
        pltpu.sync_copy(dst_h.at[pl.ds(tb, ept)], dst_v)

        def drain_write(buf):
            pltpu.make_async_copy(buf, g1_h.at[pl.ds(0, G)], wsem).wait()

        def fire_group(off, r1, r2):
            c1 = pltpu.async_copy(pre1_h.at[src_v.at[pl.ds(off, G)]], r1, gsem)
            c2 = pltpu.async_copy(pre2_h.at[dst_v.at[pl.ds(off, G)]], r2, gsem)
            return c1, c2

        def write_group(base, r1, r2):
            pltpu.async_copy(r1, g1_h.at[pl.ds(base, G)], wsem)
            pltpu.async_copy(r2, g2_h.at[pl.ds(base, G)], wsem)

        def pair(t, carry):
            off_a = (2 * t) * G
            off_b = off_a + G

            @pl.when(t > 0)
            def _drain_prev():
                for _ in range(4):
                    drain_write(r1a)

            ca1, ca2 = fire_group(off_a, r1a, r2a)
            cb1, cb2 = fire_group(off_b, r1b, r2b)
            ca1.wait()
            ca2.wait()
            cb1.wait()
            cb2.wait()
            write_group(tb + off_a, r1a, r2a)
            write_group(tb + off_b, r1b, r2b)
            return carry

        lax.fori_loop(0, npair, pair, 0)
        for _ in range(4):
            drain_write(r1a)

    return gath(pre1, pre2, src, dst)


def _sc_scatter(m, dst2d, zeros_tile, N):
    E, H = m.shape
    Hc = H // _NUM_SC
    NG, G = dst2d.shape
    NS = _NUM_TILES
    rt = (N // NS) // 8 * 8
    n_acc = N + 8
    tail = n_acc - rt * NS
    gpt = NG // NS

    @functools.partial(
        pl.kernel,
        out_type=jax.ShapeDtypeStruct((N, H), jnp.float32),
        mesh=_sc_mesh(),
        scratch_types=[
            pltpu.VMEM_SHARED((n_acc, Hc), jnp.float32),
            pltpu.VMEM((gpt, G), jnp.int32),
            pltpu.VMEM((G, Hc), jnp.float32),
            pltpu.VMEM((G, Hc), jnp.float32),
            pltpu.SemaphoreType.DMA,
        ],
    )
    def scat(m_h, dst_h, zeros_h, agg_h, agg_sh, idx_v, ra, rb, ssem):
        c = lax.axis_index("c")
        s = lax.axis_index("s")
        col0 = c * Hc
        r0 = s * rt
        g0 = s * gpt
        pltpu.sync_copy(zeros_h, agg_sh.at[pl.ds(r0, rt)])

        @pl.when(s == 0)
        def _zero_tail():
            pltpu.sync_copy(zeros_h.at[pl.ds(0, tail)],
                            agg_sh.at[pl.ds(rt * NS, tail)])

        pltpu.sync_copy(dst_h.at[pl.ds(g0, gpt)], idx_v)
        plsc.subcore_barrier()

        def drain():
            pltpu.make_async_copy(ra, agg_sh.at[pl.ds(0, G)], ssem).wait()

        def step(j, rbuf):
            base = (g0 + j) * G
            pltpu.sync_copy(m_h.at[pl.ds(base, G), pl.ds(col0, Hc)], rbuf)
            pltpu.async_copy(rbuf, agg_sh.at[idx_v.at[j]], ssem, add=True)

        def pair(t, carry):
            @pl.when(t > 0)
            def _drain_prev():
                drain()
                drain()

            step(2 * t, ra)
            step(2 * t + 1, rb)
            return carry

        lax.fori_loop(0, gpt // 2, pair, 0)
        drain()
        drain()
        plsc.subcore_barrier()
        pltpu.sync_copy(agg_sh.at[pl.ds(r0, rt)],
                        agg_h.at[pl.ds(r0, rt), pl.ds(col0, Hc)])

        @pl.when(s == 0)
        def _write_tail():
            pltpu.sync_copy(agg_sh.at[pl.ds(rt * NS, tail - 8)],
                            agg_h.at[pl.ds(rt * NS, tail - 8), pl.ds(col0, Hc)])

    return scat(m, dst2d, zeros_tile)



def _bf16_rne_bits(x):
    ix = lax.bitcast_convert_type(x, jnp.int32)
    return ix + jnp.int32(0x7FFF) + (lax.shift_right_logical(ix, 16) & 1)


def _pack2(a, b):
    ra = lax.shift_right_logical(_bf16_rne_bits(a), 16)
    rb = _bf16_rne_bits(b) & jnp.int32(-65536)
    return rb | ra


def _unpack_lo(g):
    return lax.bitcast_convert_type(g << 16, jnp.float32)


def _unpack_hi(g):
    return lax.bitcast_convert_type(g & jnp.int32(-65536), jnp.float32)


def _pre_body(h_ref, w1a_ref, w1b_ref, b1_ref, pre1_ref, pre2_ref):
    hb = h_ref[...]
    p1 = (jnp.dot(hb, w1a_ref[...], preferred_element_type=jnp.float32)
          + b1_ref[...])
    pre1_ref[...] = _pack2(p1[:, :256], p1[:, 256:])
    p2 = jnp.dot(hb, w1b_ref[...], preferred_element_type=jnp.float32)
    pre2_ref[...] = _pack2(p2[:, :256], p2[:, 256:])


def _edge_body(g1_ref, g2_ref, ee_ref, w1c_ref, w2_ref, b2_ref, m_ref):
    ee = ee_ref[...].astype(jnp.bfloat16)
    g1 = g1_ref[...]
    g2 = g2_ref[...]
    t_lo = (_unpack_lo(g1) + _unpack_lo(g2)
            + jnp.dot(ee, w1c_ref[:, :256], preferred_element_type=jnp.float32))
    t_hi = (_unpack_hi(g1) + _unpack_hi(g2)
            + jnp.dot(ee, w1c_ref[:, 256:], preferred_element_type=jnp.float32))
    a_lo = jnp.maximum(t_lo, 0.0).astype(jnp.bfloat16)
    a_hi = jnp.maximum(t_hi, 0.0).astype(jnp.bfloat16)
    m_ref[...] = (
        jnp.dot(a_lo, w2_ref[:256], preferred_element_type=jnp.float32)
        + jnp.dot(a_hi, w2_ref[256:], preferred_element_type=jnp.float32)
        + b2_ref[...])


def _node_body(h_ref, agg_ref, w3h_ref, w3a_ref, b3_ref, w4_ref, b4_ref,
               gamma_ref, beta_ref, out_ref):
    hb = h_ref[...]
    t = (jnp.dot(hb, w3h_ref[...], preferred_element_type=jnp.float32)
         + jnp.dot(agg_ref[...], w3a_ref[...], preferred_element_type=jnp.float32)
         + b3_ref[...])
    u = (jnp.dot(jnp.maximum(t, 0.0), w4_ref[...],
                 preferred_element_type=jnp.float32)
         + b4_ref[...])
    x = hb + u
    mu = jnp.mean(x, axis=-1, keepdims=True)
    xc = x - mu
    var = jnp.mean(xc * xc, axis=-1, keepdims=True)
    xn = xc * lax.rsqrt(var + 1e-5)
    out_ref[...] = xn * gamma_ref[...] + beta_ref[...]


def kernel(h, edge_index, edge_emb, W1, b1, W2, b2, W3, b3, W4, b4,
           gamma, beta):
    N, H = h.shape
    E = edge_index.shape[1]
    f32 = jnp.float32
    EP = -(-E // 16384) * 16384
    src = edge_index[0].astype(jnp.int32)
    dst = edge_index[1].astype(jnp.int32)
    srcp = jnp.concatenate([src, jnp.zeros((EP - E,), jnp.int32)])
    dstp = jnp.concatenate([dst, jnp.zeros((EP - E,), jnp.int32)])
    dst_sc = jnp.concatenate([dst, jnp.full((EP - E,), N, jnp.int32)])
    dst2d = dst_sc.reshape(EP // 128, 128)

    W1a = W1[:H]
    W1b = W1[H:2 * H]
    W1c = W1[2 * H:]
    b1r = b1.reshape(1, -1)
    b2r = b2.reshape(1, -1)
    W3h = W3[:H]
    W3a = W3[H:]
    b3r = b3.reshape(1, -1)
    b4r = b4.reshape(1, -1)
    gammar = gamma.reshape(1, -1)
    betar = beta.reshape(1, -1)

    H2 = 2 * H

    BN = 1000
    n_blocks = N // BN
    pre1, pre2 = pl.pallas_call(
        _pre_body,
        grid=(n_blocks,),
        in_specs=[
            pl.BlockSpec((BN, H), lambda i: (i, 0)),
            pl.BlockSpec((H, H2), lambda i: (0, 0)),
            pl.BlockSpec((H, H2), lambda i: (0, 0)),
            pl.BlockSpec((1, H2), lambda i: (0, 0)),
        ],
        out_specs=[
            pl.BlockSpec((BN, H), lambda i: (i, 0)),
            pl.BlockSpec((BN, H), lambda i: (i, 0)),
        ],
        out_shape=[
            jax.ShapeDtypeStruct((N, H), jnp.int32),
            jax.ShapeDtypeStruct((N, H), jnp.int32),
        ],
    )(h, W1a, W1b, b1r)

    G1, G2 = _sc_gather(pre1, pre2, srcp, dstp)

    BE = 640
    e_blocks = EP // BE
    e_last = E // BE - 1
    m = pl.pallas_call(
        _edge_body,
        grid=(e_blocks,),
        in_specs=[
            pl.BlockSpec((BE, H), lambda i: (i, 0)),
            pl.BlockSpec((BE, H), lambda i: (i, 0)),
            pl.BlockSpec((BE, H), lambda i: (jnp.minimum(i, e_last), 0)),
            pl.BlockSpec((H, H2), lambda i: (0, 0)),
            pl.BlockSpec((H2, H), lambda i: (0, 0)),
            pl.BlockSpec((1, H), lambda i: (0, 0)),
        ],
        out_specs=pl.BlockSpec((BE, H), lambda i: (i, 0)),
        out_shape=jax.ShapeDtypeStruct((EP, H), f32),
    )(G1, G2, edge_emb, W1c.astype(jnp.bfloat16), W2.astype(jnp.bfloat16),
      b2r)

    zeros_tile = jnp.zeros((N // _NUM_TILES // 8 * 8, H // _NUM_SC), f32)
    agg = _sc_scatter(m, dst2d, zeros_tile, N)

    out = pl.pallas_call(
        _node_body,
        grid=(n_blocks,),
        in_specs=[
            pl.BlockSpec((BN, H), lambda i: (i, 0)),
            pl.BlockSpec((BN, H), lambda i: (i, 0)),
            pl.BlockSpec((H, H2), lambda i: (0, 0)),
            pl.BlockSpec((H, H2), lambda i: (0, 0)),
            pl.BlockSpec((1, H2), lambda i: (0, 0)),
            pl.BlockSpec((H2, H), lambda i: (0, 0)),
            pl.BlockSpec((1, H), lambda i: (0, 0)),
            pl.BlockSpec((1, H), lambda i: (0, 0)),
            pl.BlockSpec((1, H), lambda i: (0, 0)),
        ],
        out_specs=pl.BlockSpec((BN, H), lambda i: (i, 0)),
        out_shape=jax.ShapeDtypeStruct((N, H), f32),
    )(h, agg, W3h, W3a, b3r, W4, b4r, gammar, betar)
    return out

# --- scband reference (transcript-rebuilt; emitter-appended) ---
"""Pipeline reference for scband-mpnnlayer-78365973283354 (READ-ONLY COPY).

The authoritative reference and input builder live on the scoring server;
editing this copy changes nothing except your own understanding.
"""

import jax, jax.numpy as jnp
import numpy as np

N = 10000
E = 160000
H = 256

def setup_inputs(seed: int = 0) -> dict:
    key = jax.random.key(seed)
    ks = jax.random.split(key, 16)
    h = jax.random.normal(ks[0], (N, H), dtype=jnp.float32)
    edge_index = jax.random.randint(ks[1], (2, E), 0, N, dtype=jnp.int64)
    edge_emb = jax.random.normal(ks[2], (E, H), dtype=jnp.float32)
    s1 = 1.0 / np.sqrt(3 * H)
    s2 = 1.0 / np.sqrt(2 * H)
    W1 = jax.random.uniform(ks[3], (3 * H, 2 * H), minval=-s1, maxval=s1, dtype=jnp.float32)
    b1 = jax.random.uniform(ks[4], (2 * H,), minval=-s1, maxval=s1, dtype=jnp.float32)
    W2 = jax.random.uniform(ks[5], (2 * H, H), minval=-s2, maxval=s2, dtype=jnp.float32)
    b2 = jax.random.uniform(ks[6], (H,), minval=-s2, maxval=s2, dtype=jnp.float32)
    W3 = jax.random.uniform(ks[7], (2 * H, 2 * H), minval=-s2, maxval=s2, dtype=jnp.float32)
    b3 = jax.random.uniform(ks[8], (2 * H,), minval=-s2, maxval=s2, dtype=jnp.float32)
    W4 = jax.random.uniform(ks[9], (2 * H, H), minval=-s2, maxval=s2, dtype=jnp.float32)
    b4 = jax.random.uniform(ks[10], (H,), minval=-s2, maxval=s2, dtype=jnp.float32)
    gamma = jnp.ones((H,), dtype=jnp.float32)
    beta = jnp.zeros((H,), dtype=jnp.float32)
    return {"h": h, "edge_index": edge_index, "edge_emb": edge_emb,
            "W1": W1, "b1": b1, "W2": W2, "b2": b2,
            "W3": W3, "b3": b3, "W4": W4, "b4": b4,
            "gamma": gamma, "beta": beta}

def reference(h, edge_index, edge_emb, W1, b1, W2, b2, W3, b3, W4, b4, gamma, beta):
    src = edge_index[0]
    dst = edge_index[1]
    m_in = jnp.concatenate([h[src], h[dst], edge_emb], axis=-1)
    m = jax.nn.relu(m_in @ W1 + b1) @ W2 + b2
    agg = jax.ops.segment_sum(m, dst, num_segments=h.shape[0])
    n_in = jnp.concatenate([h, agg], axis=-1)
    h_upd = jax.nn.relu(n_in @ W3 + b3) @ W4 + b4
    x = h + h_upd
    mu = jnp.mean(x, axis=-1, keepdims=True)
    var = jnp.mean((x - mu) ** 2, axis=-1, keepdims=True)
    xn = (x - mu) / jnp.sqrt(var + 1e-5)
    return xn * gamma + beta

if __name__ == "__main__":
    import jax
    _d = setup_inputs()
    print(jax.jit(kernel)(*tuple(_d.values())))

</pallas_src>

<mosaic_0001>
#map = affine_map<(d0, d1) -> (0, 0)>
module attributes {stable_mosaic.version = 14 : i64} {
  func.func @scat(%arg0: i32, %arg1: i32, %arg2: memref<163840x256xf32, #tpu.memory_space<hbm>>, %arg3: memref<1280x128xi32, #tpu.memory_space<hbm>>, %arg4: memref<624x128xf32, #tpu.memory_space<hbm>>, %arg5: memref<10000x256xf32, #tpu.memory_space<hbm>>, %arg6: memref<10008x128xf32, #tpu.memory_space<vmem_shared>>, %arg7: memref<80x128xi32, #tpu.memory_space<vmem>>, %arg8: memref<128x128xf32, #tpu.memory_space<vmem>>, %arg9: memref<128x128xf32, #tpu.memory_space<vmem>>, %arg10: memref<!tpu.dma_semaphore, #tpu.memory_space<semaphore_mem>>) attributes {dimension_semantics = [#tpu.dimension_semantics<core_parallel>, #tpu.dimension_semantics<subcore_parallel>], iteration_bounds = array<i64: 2, 16>, scalar_prefetch = 0 : i64, scratch_operands = 5 : i64, tpu.core_type = #tpu.core_type<sc_vector_subcore>, window_params = [{transform_indices = #map}, {transform_indices = #map}, {transform_indices = #map}, {transform_indices = #map}]} {
    %mul3A = arith.constant 128 : i32
    %mul3A_0 = arith.muli %arg0, %mul3A : i32
    %mul3A_1 = arith.constant 624 : i32
    %mul3A_2 = arith.muli %arg1, %mul3A_1 : i32
    %mul3A_3 = arith.constant 80 : i32
    %mul3A_4 = arith.muli %arg1, %mul3A_3 : i32
    "tpu.region"() ({
      %run_scoped3A = tpu.sem_alloc : memref<!tpu.dma_semaphore, #tpu.memory_space<semaphore_mem>>
      %dma_start3A = arith.constant 0 : i32
      %dma_start3A_29 = tpu.memref_slice %arg6[%mul3A_2, %dma_start3A] : memref<10008x128xf32, #tpu.memory_space<vmem_shared>> -> memref<624x128xf32, #tpu.memory_space<vmem_shared>>
      tpu.enqueue_dma source(%arg4 : memref<624x128xf32, #tpu.memory_space<hbm>>) target(%dma_start3A_29 : memref<624x128xf32, #tpu.memory_space<vmem_shared>>) target_semaphore(%run_scoped3A : memref<!tpu.dma_semaphore, #tpu.memory_space<semaphore_mem>>)
      %dma_wait3A_30 = arith.constant 0 : i32
      %dma_wait3A_31 = tpu.memref_slice %arg6[%mul3A_2, %dma_wait3A_30] : memref<10008x128xf32, #tpu.memory_space<vmem_shared>> -> memref<624x128xf32, #tpu.memory_space<vmem_shared>>
      tpu.wait_dma2 semaphore(%run_scoped3A : memref<!tpu.dma_semaphore, #tpu.memory_space<semaphore_mem>>) src(%arg4 : memref<624x128xf32, #tpu.memory_space<hbm>>) dst(%dma_wait3A_31 : memref<624x128xf32, #tpu.memory_space<vmem_shared>>)
      tpu.yield
    }) : () -> ()
    %eq3A = arith.constant 0 : i32
    %eq3A_5 = arith.cmpi eq, %arg1, %eq3A : i32
    %convert_element_type3A = arith.extui %eq3A_5 : i1 to i32
    %cond3A = arith.constant 0 : i32
    %cond3A_6 = arith.cmpi ne, %convert_element_type3A, %cond3A : i32
    scf.if %cond3A_6 {
      "tpu.region"() ({
        %run_scoped3A = tpu.sem_alloc : memref<!tpu.dma_semaphore, #tpu.memory_space<semaphore_mem>>
        %dma_start3A = arith.constant 9984 : i32
        %dma_start3A_29 = arith.constant 0 : i32
        %dma_start3A_30 = tpu.memref_slice %arg6[%dma_start3A, %dma_start3A_29] : memref<10008x128xf32, #tpu.memory_space<vmem_shared>> -> memref<24x128xf32, #tpu.memory_space<vmem_shared>>
        %dma_start3A_31 = arith.constant 0 : i32
        %dma_start3A_32 = arith.constant 0 : i32
        %dma_start3A_33 = tpu.memref_slice %arg4[%dma_start3A_31, %dma_start3A_32] : memref<624x128xf32, #tpu.memory_space<hbm>> -> memref<24x128xf32, #tpu.memory_space<hbm>>
        tpu.enqueue_dma source(%dma_start3A_33 : memref<24x128xf32, #tpu.memory_space<hbm>>) target(%dma_start3A_30 : memref<24x128xf32, #tpu.memory_space<vmem_shared>>) target_semaphore(%run_scoped3A : memref<!tpu.dma_semaphore, #tpu.memory_space<semaphore_mem>>)
        %dma_wait3A_34 = arith.constant 9984 : i32
        %dma_wait3A_35 = arith.constant 0 : i32
        %dma_wait3A_36 = tpu.memref_slice %arg6[%dma_wait3A_34, %dma_wait3A_35] : memref<10008x128xf32, #tpu.memory_space<vmem_shared>> -> memref<24x128xf32, #tpu.memory_space<vmem_shared>>
        %dma_wait3A_37 = arith.constant 0 : i32
        %dma_wait3A_38 = arith.constant 0 : i32
        %dma_wait3A_39 = tpu.memref_slice %arg4[%dma_wait3A_37, %dma_wait3A_38] : memref<624x128xf32, #tpu.memory_space<hbm>> -> memref<24x128xf32, #tpu.memory_space<hbm>>
        tpu.wait_dma2 semaphore(%run_scoped3A : memref<!tpu.dma_semaphore, #tpu.memory_space<semaphore_mem>>) src(%dma_wait3A_39 : memref<24x128xf32, #tpu.memory_space<hbm>>) dst(%dma_wait3A_36 : memref<24x128xf32, #tpu.memory_space<vmem_shared>>)
        tpu.yield
      }) : () -> ()
    } else {
    }
    "tpu.region"() ({
      %run_scoped3A = tpu.sem_alloc : memref<!tpu.dma_semaphore, #tpu.memory_space<semaphore_mem>>
      %dma_start3A = arith.constant 0 : i32
      %dma_start3A_29 = tpu.memref_slice %arg3[%mul3A_4, %dma_start3A] : memref<1280x128xi32, #tpu.memory_space<hbm>> -> memref<80x128xi32, #tpu.memory_space<hbm>>
      %dma_start3A_30 = arith.constant 0 : i32
      %dma_start3A_31 = tpu.memref_slice %arg3[%mul3A_4, %dma_start3A_30] : memref<1280x128xi32, #tpu.memory_space<hbm>> -> memref<80x128xi32, #tpu.memory_space<hbm>>
      tpu.enqueue_dma source(%dma_start3A_31 : memref<80x128xi32, #tpu.memory_space<hbm>>) target(%arg7 : memref<80x128xi32, #tpu.memory_space<vmem>>) target_semaphore(%run_scoped3A : memref<!tpu.dma_semaphore, #tpu.memory_space<semaphore_mem>>)
      %dma_wait3A_32 = arith.constant 0 : i32
      %dma_wait3A_33 = tpu.memref_slice %arg3[%mul3A_4, %dma_wait3A_32] : memref<1280x128xi32, #tpu.memory_space<hbm>> -> memref<80x128xi32, #tpu.memory_space<hbm>>
      %dma_wait3A_34 = arith.constant 0 : i32
      %dma_wait3A_35 = tpu.memref_slice %arg3[%mul3A_4, %dma_wait3A_34] : memref<1280x128xi32, #tpu.memory_space<hbm>> -> memref<80x128xi32, #tpu.memory_space<hbm>>
      tpu.wait_dma2 semaphore(%run_scoped3A : memref<!tpu.dma_semaphore, #tpu.memory_space<semaphore_mem>>) src(%dma_wait3A_35 : memref<80x128xi32, #tpu.memory_space<hbm>>) dst(%arg7 : memref<80x128xi32, #tpu.memory_space<vmem>>)
      tpu.yield
    }) : () -> ()
    %barrier3A = arith.constant 0 : index
    tpu.barrier barrier_id(%barrier3A)
    %scan3A = arith.constant 0 : i32
    %scan3A_7 = arith.constant 0 : i32
    %scan3A_8 = arith.constant 40 : i32
    %scan3A_9 = arith.addi %scan3A_7, %scan3A_8 : i32
    %scan3A_10 = arith.constant 1 : i32
    scf.for %scan3A_29 = %scan3A_7 to %scan3A_9 step %scan3A_10  : i32 {
      %gt3A = arith.constant 0 : i32
      %gt3A_30 = arith.cmpi sgt, %scan3A_29, %gt3A : i32
      %convert_element_type3A_31 = arith.extui %gt3A_30 : i1 to i32
      %cond3A_32 = arith.constant 0 : i32
      %cond3A_33 = arith.cmpi ne, %convert_element_type3A_31, %cond3A_32 : i32
      scf.if %cond3A_33 {
        %dma_wait3A_56 = arith.constant 0 : i32
        %dma_wait3A_57 = arith.constant 0 : i32
        %dma_wait3A_58 = tpu.memref_slice %arg6[%dma_wait3A_56, %dma_wait3A_57] : memref<10008x128xf32, #tpu.memory_space<vmem_shared>> -> memref<128x128xf32, #tpu.memory_space<vmem_shared>>
        %dma_wait3A_59 = arith.constant 0 : i32
        %dma_wait3A_60 = arith.constant 0 : i32
        %dma_wait3A_61 = tpu.memref_slice %arg6[%dma_wait3A_59, %dma_wait3A_60] : memref<10008x128xf32, #tpu.memory_space<vmem_shared>> -> memref<128x128xf32, #tpu.memory_space<vmem_shared>>
        tpu.wait_dma2 semaphore(%arg10 : memref<!tpu.dma_semaphore, #tpu.memory_space<semaphore_mem>>) src(%arg8 : memref<128x128xf32, #tpu.memory_space<vmem>>) dst(%dma_wait3A_61 : memref<128x128xf32, #tpu.memory_space<vmem_shared>>)
        %dma_wait3A_62 = arith.constant 0 : i32
        %dma_wait3A_63 = arith.constant 0 : i32
        %dma_wait3A_64 = tpu.memref_slice %arg6[%dma_wait3A_62, %dma_wait3A_63] : memref<10008x128xf32, #tpu.memory_space<vmem_shared>> -> memref<128x128xf32, #tpu.memory_space<vmem_shared>>
        %dma_wait3A_65 = arith.constant 0 : i32
        %dma_wait3A_66 = arith.constant 0 : i32
        %dma_wait3A_67 = tpu.memref_slice %arg6[%dma_wait3A_65, %dma_wait3A_66] : memref<10008x128xf32, #tpu.memory_space<vmem_shared>> -> memref<128x128xf32, #tpu.memory_space<vmem_shared>>
        tpu.wait_dma2 semaphore(%arg10 : memref<!tpu.dma_semaphore, #tpu.memory_space<semaphore_mem>>) src(%arg8 : memref<128x128xf32, #tpu.memory_space<vmem>>) dst(%dma_wait3A_67 : memref<128x128xf32, #tpu.memory_space<vmem_shared>>)
      } else {
      }
      %mul3A_34 = arith.constant 2 : i32
      %mul3A_35 = arith.muli %mul3A_34, %scan3A_29 : i32
      %add3A = arith.addi %mul3A_4, %mul3A_35 : i32
      %mul3A_36 = arith.constant 128 : i32
      %mul3A_37 = arith.muli %add3A, %mul3A_36 : i32
      "tpu.region"() ({
        %run_scoped3A = tpu.sem_alloc : memref<!tpu.dma_semaphore, #tpu.memory_space<semaphore_mem>>
        %dma_start3A_56 = tpu.memref_slice %arg2[%mul3A_37, %mul3A_0] : memref<163840x256xf32, #tpu.memory_space<hbm>> -> memref<128x128xf32, #tpu.memory_space<hbm>>
        %dma_start3A_57 = tpu.memref_slice %arg2[%mul3A_37, %mul3A_0] : memref<163840x256xf32, #tpu.memory_space<hbm>> -> memref<128x128xf32, #tpu.memory_space<hbm>>
        tpu.enqueue_dma source(%dma_start3A_57 : memref<128x128xf32, #tpu.memory_space<hbm>>) target(%arg8 : memref<128x128xf32, #tpu.memory_space<vmem>>) target_semaphore(%run_scoped3A : memref<!tpu.dma_semaphore, #tpu.memory_space<semaphore_mem>>)
        %dma_wait3A_58 = tpu.memref_slice %arg2[%mul3A_37, %mul3A_0] : memref<163840x256xf32, #tpu.memory_space<hbm>> -> memref<128x128xf32, #tpu.memory_space<hbm>>
        %dma_wait3A_59 = tpu.memref_slice %arg2[%mul3A_37, %mul3A_0] : memref<163840x256xf32, #tpu.memory_space<hbm>> -> memref<128x128xf32, #tpu.memory_space<hbm>>
        tpu.wait_dma2 semaphore(%run_scoped3A : memref<!tpu.dma_semaphore, #tpu.memory_space<semaphore_mem>>) src(%dma_wait3A_59 : memref<128x128xf32, #tpu.memory_space<hbm>>) dst(%arg8 : memref<128x128xf32, #tpu.memory_space<vmem>>)
        tpu.yield
      }) : () -> ()
      %dma_start3A = arith.constant 0 : i32
      %dma_start3A_38 = tpu.memref_slice %arg7[%mul3A_35, %dma_start3A] : memref<80x128xi32, #tpu.memory_space<vmem>> -> memref<1x128xi32, #tpu.memory_space<vmem>>
      %dma_start3A_39 = tpu.memref_squeeze %dma_start3A_38 : memref<1x128xi32, #tpu.memory_space<vmem>> -> memref<128xi32, #tpu.memory_space<vmem>>
      %dma_start3A_40 = arith.constant 0 : i32
      %dma_start3A_41 = arith.constant 0 : i32
      %dma_start3A_42 = tpu.memref_slice %arg6[%dma_start3A_40, %dma_start3A_41] : memref<10008x128xf32, #tpu.memory_space<vmem_shared>> -> memref<10008x128xf32, #tpu.memory_space<vmem_shared>>
      tpu.enqueue_indirect_dma source(%arg8 : memref<128x128xf32, #tpu.memory_space<vmem>>) target(%dma_start3A_42 : memref<10008x128xf32, #tpu.memory_space<vmem_shared>>) offsets(%dma_start3A_39 : memref<128xi32, #tpu.memory_space<vmem>>) semaphore(%arg10 : memref<!tpu.dma_semaphore, #tpu.memory_space<semaphore_mem>>) {add = true}
      %mul3A_43 = arith.constant 2 : i32
      %mul3A_44 = arith.muli %mul3A_43, %scan3A_29 : i32
      %add3A_45 = arith.constant 1 : i32
      %add3A_46 = arith.addi %mul3A_44, %add3A_45 : i32
      %add3A_47 = arith.addi %mul3A_4, %add3A_46 : i32
      %mul3A_48 = arith.constant 128 : i32
      %mul3A_49 = arith.muli %add3A_47, %mul3A_48 : i32
      "tpu.region"() ({
        %run_scoped3A = tpu.sem_alloc : memref<!tpu.dma_semaphore, #tpu.memory_space<semaphore_mem>>
        %dma_start3A_56 = tpu.memref_slice %arg2[%mul3A_49, %mul3A_0] : memref<163840x256xf32, #tpu.memory_space<hbm>> -> memref<128x128xf32, #tpu.memory_space<hbm>>
        %dma_start3A_57 = tpu.memref_slice %arg2[%mul3A_49, %mul3A_0] : memref<163840x256xf32, #tpu.memory_space<hbm>> -> memref<128x128xf32, #tpu.memory_space<hbm>>
        tpu.enqueue_dma source(%dma_start3A_57 : memref<128x128xf32, #tpu.memory_space<hbm>>) target(%arg9 : memref<128x128xf32, #tpu.memory_space<vmem>>) target_semaphore(%run_scoped3A : memref<!tpu.dma_semaphore, #tpu.memory_space<semaphore_mem>>)
        %dma_wait3A_58 = tpu.memref_slice %arg2[%mul3A_49, %mul3A_0] : memref<163840x256xf32, #tpu.memory_space<hbm>> -> memref<128x128xf32, #tpu.memory_space<hbm>>
        %dma_wait3A_59 = tpu.memref_slice %arg2[%mul3A_49, %mul3A_0] : memref<163840x256xf32, #tpu.memory_space<hbm>> -> memref<128x128xf32, #tpu.memory_space<hbm>>
        tpu.wait_dma2 semaphore(%run_scoped3A : memref<!tpu.dma_semaphore, #tpu.memory_space<semaphore_mem>>) src(%dma_wait3A_59 : memref<128x128xf32, #tpu.memory_space<hbm>>) dst(%arg9 : memref<128x128xf32, #tpu.memory_space<vmem>>)
        tpu.yield
      }) : () -> ()
      %dma_start3A_50 = arith.constant 0 : i32
      %dma_start3A_51 = tpu.memref_slice %arg7[%add3A_46, %dma_start3A_50] : memref<80x128xi32, #tpu.memory_space<vmem>> -> memref<1x128xi32, #tpu.memory_space<vmem>>
      %dma_start3A_52 = tpu.memref_squeeze %dma_start3A_51 : memref<1x128xi32, #tpu.memory_space<vmem>> -> memref<128xi32, #tpu.memory_space<vmem>>
      %dma_start3A_53 = arith.constant 0 : i32
      %dma_start3A_54 = arith.constant 0 : i32
      %dma_start3A_55 = tpu.memref_slice %arg6[%dma_start3A_53, %dma_start3A_54] : memref<10008x128xf32, #tpu.memory_space<vmem_shared>> -> memref<10008x128xf32, #tpu.memory_space<vmem_shared>>
      tpu.enqueue_indirect_dma source(%arg9 : memref<128x128xf32, #tpu.memory_space<vmem>>) target(%dma_start3A_55 : memref<10008x128xf32, #tpu.memory_space<vmem_shared>>) offsets(%dma_start3A_52 : memref<128xi32, #tpu.memory_space<vmem>>) semaphore(%arg10 : memref<!tpu.dma_semaphore, #tpu.memory_space<semaphore_mem>>) {add = true}
    }
    %scan3A_11 = arith.constant 40 : i32
    %dma_wait3A = arith.constant 0 : i32
    %dma_wait3A_12 = arith.constant 0 : i32
    %dma_wait3A_13 = tpu.memref_slice %arg6[%dma_wait3A, %dma_wait3A_12] : memref<10008x128xf32, #tpu.memory_space<vmem_shared>> -> memref<128x128xf32, #tpu.memory_space<vmem_shared>>
    %dma_wait3A_14 = arith.constant 0 : i32
    %dma_wait3A_15 = arith.constant 0 : i32
    %dma_wait3A_16 = tpu.memref_slice %arg6[%dma_wait3A_14, %dma_wait3A_15] : memref<10008x128xf32, #tpu.memory_space<vmem_shared>> -> memref<128x128xf32, #tpu.memory_space<vmem_shared>>
    tpu.wait_dma2 semaphore(%arg10 : memref<!tpu.dma_semaphore, #tpu.memory_space<semaphore_mem>>) src(%arg8 : memref<128x128xf32, #tpu.memory_space<vmem>>) dst(%dma_wait3A_16 : memref<128x128xf32, #tpu.memory_space<vmem_shared>>)
    %dma_wait3A_17 = arith.constant 0 : i32
    %dma_wait3A_18 = arith.constant 0 : i32
    %dma_wait3A_19 = tpu.memref_slice %arg6[%dma_wait3A_17, %dma_wait3A_18] : memref<10008x128xf32, #tpu.memory_space<vmem_shared>> -> memref<128x128xf32, #tpu.memory_space<vmem_shared>>
    %dma_wait3A_20 = arith.constant 0 : i32
    %dma_wait3A_21 = arith.constant 0 : i32
    %dma_wait3A_22 = tpu.memref_slice %arg6[%dma_wait3A_20, %dma_wait3A_21] : memref<10008x128xf32, #tpu.memory_space<vmem_shared>> -> memref<128x128xf32, #tpu.memory_space<vmem_shared>>
    tpu.wait_dma2 semaphore(%arg10 : memref<!tpu.dma_semaphore, #tpu.memory_space<semaphore_mem>>) src(%arg8 : memref<128x128xf32, #tpu.memory_space<vmem>>) dst(%dma_wait3A_22 : memref<128x128xf32, #tpu.memory_space<vmem_shared>>)
    %barrier3A_23 = arith.constant 0 : index
    tpu.barrier barrier_id(%barrier3A_23)
    "tpu.region"() ({
      %run_scoped3A = tpu.sem_alloc : memref<!tpu.dma_semaphore, #tpu.memory_space<semaphore_mem>>
      %dma_start3A = tpu.memref_slice %arg5[%mul3A_2, %mul3A_0] : memref<10000x256xf32, #tpu.memory_space<hbm>> -> memref<624x128xf32, #tpu.memory_space<hbm>>
      %dma_start3A_29 = arith.constant 0 : i32
      %dma_start3A_30 = tpu.memref_slice %arg6[%mul3A_2, %dma_start3A_29] : memref<10008x128xf32, #tpu.memory_space<vmem_shared>> -> memref<624x128xf32, #tpu.memory_space<vmem_shared>>
      tpu.enqueue_dma source(%dma_start3A_30 : memref<624x128xf32, #tpu.memory_space<vmem_shared>>) target(%dma_start3A : memref<624x128xf32, #tpu.memory_space<hbm>>) target_semaphore(%run_scoped3A : memref<!tpu.dma_semaphore, #tpu.memory_space<semaphore_mem>>)
      %dma_wait3A_31 = tpu.memref_slice %arg5[%mul3A_2, %mul3A_0] : memref<10000x256xf32, #tpu.memory_space<hbm>> -> memref<624x128xf32, #tpu.memory_space<hbm>>
      %dma_wait3A_32 = arith.constant 0 : i32
      %dma_wait3A_33 = tpu.memref_slice %arg6[%mul3A_2, %dma_wait3A_32] : memref<10008x128xf32, #tpu.memory_space<vmem_shared>> -> memref<624x128xf32, #tpu.memory_space<vmem_shared>>
      tpu.wait_dma2 semaphore(%run_scoped3A : memref<!tpu.dma_semaphore, #tpu.memory_space<semaphore_mem>>) src(%dma_wait3A_33 : memref<624x128xf32, #tpu.memory_space<vmem_shared>>) dst(%dma_wait3A_31 : memref<624x128xf32, #tpu.memory_space<hbm>>)
      tpu.yield
    }) : () -> ()
    %eq3A_24 = arith.constant 0 : i32
    %eq3A_25 = arith.cmpi eq, %arg1, %eq3A_24 : i32
    %convert_element_type3A_26 = arith.extui %eq3A_25 : i1 to i32
    %cond3A_27 = arith.constant 0 : i32
    %cond3A_28 = arith.cmpi ne, %convert_element_type3A_26, %cond3A_27 : i32
    scf.if %cond3A_28 {
      "tpu.region"() ({
        %run_scoped3A = tpu.sem_alloc : memref<!tpu.dma_semaphore, #tpu.memory_space<semaphore_mem>>
        %dma_start3A = arith.constant 9984 : i32
        %dma_start3A_29 = tpu.memref_slice %arg5[%dma_start3A, %mul3A_0] : memref<10000x256xf32, #tpu.memory_space<hbm>> -> memref<16x128xf32, #tpu.memory_space<hbm>>
        %dma_start3A_30 = arith.constant 9984 : i32
        %dma_start3A_31 = arith.constant 0 : i32
        %dma_start3A_32 = tpu.memref_slice %arg6[%dma_start3A_30, %dma_start3A_31] : memref<10008x128xf32, #tpu.memory_space<vmem_shared>> -> memref<16x128xf32, #tpu.memory_space<vmem_shared>>
        tpu.enqueue_dma source(%dma_start3A_32 : memref<16x128xf32, #tpu.memory_space<vmem_shared>>) target(%dma_start3A_29 : memref<16x128xf32, #tpu.memory_space<hbm>>) target_semaphore(%run_scoped3A : memref<!tpu.dma_semaphore, #tpu.memory_space<semaphore_mem>>)
        %dma_wait3A_33 = arith.constant 9984 : i32
        %dma_wait3A_34 = tpu.memref_slice %arg5[%dma_wait3A_33, %mul3A_0] : memref<10000x256xf32, #tpu.memory_space<hbm>> -> memref<16x128xf32, #tpu.memory_space<hbm>>
        %dma_wait3A_35 = arith.constant 9984 : i32
        %dma_wait3A_36 = arith.constant 0 : i32
        %dma_wait3A_37 = tpu.memref_slice %arg6[%dma_wait3A_35, %dma_wait3A_36] : memref<10008x128xf32, #tpu.memory_space<vmem_shared>> -> memref<16x128xf32, #tpu.memory_space<vmem_shared>>
        tpu.wait_dma2 semaphore(%run_scoped3A : memref<!tpu.dma_semaphore, #tpu.memory_space<semaphore_mem>>) src(%dma_wait3A_37 : memref<16x128xf32, #tpu.memory_space<vmem_shared>>) dst(%dma_wait3A_34 : memref<16x128xf32, #tpu.memory_space<hbm>>)
        tpu.yield
      }) : () -> ()
    } else {
    }
    return
  }
}

#map = affine_map<(d0, d1) -> (0, 0)>
#map1 = affine_map<(d0, d1) -> (0)>
module attributes {stable_mosaic.version = 14 : i64} {
  func.func @gath(%arg0: i32, %arg1: i32, %arg2: memref<10000x256xi32, #tpu.memory_space<hbm>>, %arg3: memref<10000x256xi32, #tpu.memory_space<hbm>>, %arg4: memref<163840xi32, #tpu.memory_space<hbm>>, %arg5: memref<163840xi32, #tpu.memory_space<hbm>>, %arg6: memref<163840x256xi32, #tpu.memory_space<hbm>>, %arg7: memref<163840x256xi32, #tpu.memory_space<hbm>>, %arg8: memref<5120xi32, #tpu.memory_space<vmem>>, %arg9: memref<5120xi32, #tpu.memory_space<vmem>>, %arg10: memref<40x256xi32, #tpu.memory_space<vmem>>, %arg11: memref<40x256xi32, #tpu.memory_space<vmem>>, %arg12: memref<40x256xi32, #tpu.memory_space<vmem>>, %arg13: memref<40x256xi32, #tpu.memory_space<vmem>>, %arg14: memref<!tpu.dma_semaphore, #tpu.memory_space<semaphore_mem>>, %arg15: memref<!tpu.dma_semaphore, #tpu.memory_space<semaphore_mem>>) attributes {dimension_semantics = [#tpu.dimension_semantics<core_parallel>, #tpu.dimension_semantics<subcore_parallel>], iteration_bounds = array<i64: 2, 16>, scalar_prefetch = 0 : i64, scratch_operands = 8 : i64, tpu.core_type = #tpu.core_type<sc_vector_subcore>, window_params = [{transform_indices = #map}, {transform_indices = #map}, {transform_indices = #map1}, {transform_indices = #map1}, {transform_indices = #map}, {transform_indices = #map}]} {
    %mul3A = arith.constant 2 : i32
    %mul3A_0 = arith.muli %arg1, %mul3A : i32
    %add3A = arith.addi %mul3A_0, %arg0 : i32
    %mul3A_1 = arith.constant 5120 : i32
    %mul3A_2 = arith.muli %add3A, %mul3A_1 : i32
    "tpu.region"() ({
      %run_scoped3A = tpu.sem_alloc : memref<!tpu.dma_semaphore, #tpu.memory_space<semaphore_mem>>
      %dma_start3A = tpu.memref_slice %arg4[%mul3A_2] : memref<163840xi32, #tpu.memory_space<hbm>> -> memref<5120xi32, #tpu.memory_space<hbm>>
      %dma_start3A_31 = tpu.memref_slice %arg4[%mul3A_2] : memref<163840xi32, #tpu.memory_space<hbm>> -> memref<5120xi32, #tpu.memory_space<hbm>>
      tpu.enqueue_dma source(%dma_start3A_31 : memref<5120xi32, #tpu.memory_space<hbm>>) target(%arg8 : memref<5120xi32, #tpu.memory_space<vmem>>) target_semaphore(%run_scoped3A : memref<!tpu.dma_semaphore, #tpu.memory_space<semaphore_mem>>)
      %dma_wait3A_32 = tpu.memref_slice %arg4[%mul3A_2] : memref<163840xi32, #tpu.memory_space<hbm>> -> memref<5120xi32, #tpu.memory_space<hbm>>
      %dma_wait3A_33 = tpu.memref_slice %arg4[%mul3A_2] : memref<163840xi32, #tpu.memory_space<hbm>> -> memref<5120xi32, #tpu.memory_space<hbm>>
      tpu.wait_dma2 semaphore(%run_scoped3A : memref<!tpu.dma_semaphore, #tpu.memory_space<semaphore_mem>>) src(%dma_wait3A_33 : memref<5120xi32, #tpu.memory_space<hbm>>) dst(%arg8 : memref<5120xi32, #tpu.memory_space<vmem>>)
      tpu.yield
    }) : () -> ()
    "tpu.region"() ({
      %run_scoped3A = tpu.sem_alloc : memref<!tpu.dma_semaphore, #tpu.memory_space<semaphore_mem>>
      %dma_start3A = tpu.memref_slice %arg5[%mul3A_2] : memref<163840xi32, #tpu.memory_space<hbm>> -> memref<5120xi32, #tpu.memory_space<hbm>>
      %dma_start3A_31 = tpu.memref_slice %arg5[%mul3A_2] : memref<163840xi32, #tpu.memory_space<hbm>> -> memref<5120xi32, #tpu.memory_space<hbm>>
      tpu.enqueue_dma source(%dma_start3A_31 : memref<5120xi32, #tpu.memory_space<hbm>>) target(%arg9 : memref<5120xi32, #tpu.memory_space<vmem>>) target_semaphore(%run_scoped3A : memref<!tpu.dma_semaphore, #tpu.memory_space<semaphore_mem>>)
      %dma_wait3A_32 = tpu.memref_slice %arg5[%mul3A_2] : memref<163840xi32, #tpu.memory_space<hbm>> -> memref<5120xi32, #tpu.memory_space<hbm>>
      %dma_wait3A_33 = tpu.memref_slice %arg5[%mul3A_2] : memref<163840xi32, #tpu.memory_space<hbm>> -> memref<5120xi32, #tpu.memory_space<hbm>>
      tpu.wait_dma2 semaphore(%run_scoped3A : memref<!tpu.dma_semaphore, #tpu.memory_space<semaphore_mem>>) src(%dma_wait3A_33 : memref<5120xi32, #tpu.memory_space<hbm>>) dst(%arg9 : memref<5120xi32, #tpu.memory_space<vmem>>)
      tpu.yield
    }) : () -> ()
    %scan3A = arith.constant 0 : i32
    %scan3A_3 = arith.constant 0 : i32
    %scan3A_4 = arith.constant 64 : i32
    %scan3A_5 = arith.addi %scan3A_3, %scan3A_4 : i32
    %scan3A_6 = arith.constant 1 : i32
    scf.for %scan3A_31 = %scan3A_3 to %scan3A_5 step %scan3A_6  : i32 {
      %mul3A_32 = arith.constant 2 : i32
      %mul3A_33 = arith.muli %mul3A_32, %scan3A_31 : i32
      %mul3A_34 = arith.constant 40 : i32
      %mul3A_35 = arith.muli %mul3A_33, %mul3A_34 : i32
      %add3A_36 = arith.constant 40 : i32
      %add3A_37 = arith.addi %mul3A_35, %add3A_36 : i32
      %gt3A = arith.constant 0 : i32
      %gt3A_38 = arith.cmpi sgt, %scan3A_31, %gt3A : i32
      %convert_element_type3A = arith.extui %gt3A_38 : i1 to i32
      %cond3A = arith.constant 0 : i32
      %cond3A_39 = arith.cmpi ne, %convert_element_type3A, %cond3A : i32
      scf.if %cond3A_39 {
        %dma_wait3A_89 = arith.constant 0 : i32
        %dma_wait3A_90 = arith.constant 0 : i32
        %dma_wait3A_91 = tpu.memref_slice %arg6[%dma_wait3A_89, %dma_wait3A_90] : memref<163840x256xi32, #tpu.memory_space<hbm>> -> memref<40x256xi32, #tpu.memory_space<hbm>>
        %dma_wait3A_92 = arith.constant 0 : i32
        %dma_wait3A_93 = arith.constant 0 : i32
        %dma_wait3A_94 = tpu.memref_slice %arg6[%dma_wait3A_92, %dma_wait3A_93] : memref<163840x256xi32, #tpu.memory_space<hbm>> -> memref<40x256xi32, #tpu.memory_space<hbm>>
        tpu.wait_dma2 semaphore(%arg15 : memref<!tpu.dma_semaphore, #tpu.memory_space<semaphore_mem>>) src(%arg10 : memref<40x256xi32, #tpu.memory_space<vmem>>) dst(%dma_wait3A_94 : memref<40x256xi32, #tpu.memory_space<hbm>>)
        %dma_wait3A_95 = arith.constant 0 : i32
        %dma_wait3A_96 = arith.constant 0 : i32
        %dma_wait3A_97 = tpu.memref_slice %arg6[%dma_wait3A_95, %dma_wait3A_96] : memref<163840x256xi32, #tpu.memory_space<hbm>> -> memref<40x256xi32, #tpu.memory_space<hbm>>
        %dma_wait3A_98 = arith.constant 0 : i32
        %dma_wait3A_99 = arith.constant 0 : i32
        %dma_wait3A_100 = tpu.memref_slice %arg6[%dma_wait3A_98, %dma_wait3A_99] : memref<163840x256xi32, #tpu.memory_space<hbm>> -> memref<40x256xi32, #tpu.memory_space<hbm>>
        tpu.wait_dma2 semaphore(%arg15 : memref<!tpu.dma_semaphore, #tpu.memory_space<semaphore_mem>>) src(%arg10 : memref<40x256xi32, #tpu.memory_space<vmem>>) dst(%dma_wait3A_100 : memref<40x256xi32, #tpu.memory_space<hbm>>)
        %dma_wait3A_101 = arith.constant 0 : i32
        %dma_wait3A_102 = arith.constant 0 : i32
        %dma_wait3A_103 = tpu.memref_slice %arg6[%dma_wait3A_101, %dma_wait3A_102] : memref<163840x256xi32, #tpu.memory_space<hbm>> -> memref<40x256xi32, #tpu.memory_space<hbm>>
        %dma_wait3A_104 = arith.constant 0 : i32
        %dma_wait3A_105 = arith.constant 0 : i32
        %dma_wait3A_106 = tpu.memref_slice %arg6[%dma_wait3A_104, %dma_wait3A_105] : memref<163840x256xi32, #tpu.memory_space<hbm>> -> memref<40x256xi32, #tpu.memory_space<hbm>>
        tpu.wait_dma2 semaphore(%arg15 : memref<!tpu.dma_semaphore, #tpu.memory_space<semaphore_mem>>) src(%arg10 : memref<40x256xi32, #tpu.memory_space<vmem>>) dst(%dma_wait3A_106 : memref<40x256xi32, #tpu.memory_space<hbm>>)
        %dma_wait3A_107 = arith.constant 0 : i32
        %dma_wait3A_108 = arith.constant 0 : i32
        %dma_wait3A_109 = tpu.memref_slice %arg6[%dma_wait3A_107, %dma_wait3A_108] : memref<163840x256xi32, #tpu.memory_space<hbm>> -> memref<40x256xi32, #tpu.memory_space<hbm>>
        %dma_wait3A_110 = arith.constant 0 : i32
        %dma_wait3A_111 = arith.constant 0 : i32
        %dma_wait3A_112 = tpu.memref_slice %arg6[%dma_wait3A_110, %dma_wait3A_111] : memref<163840x256xi32, #tpu.memory_space<hbm>> -> memref<40x256xi32, #tpu.memory_space<hbm>>
        tpu.wait_dma2 semaphore(%arg15 : memref<!tpu.dma_semaphore, #tpu.memory_space<semaphore_mem>>) src(%arg10 : memref<40x256xi32, #tpu.memory_space<vmem>>) dst(%dma_wait3A_112 : memref<40x256xi32, #tpu.memory_space<hbm>>)
      } else {
      }
      %dma_start3A = tpu.memref_slice %arg8[%mul3A_35] : memref<5120xi32, #tpu.memory_space<vmem>> -> memref<40xi32, #tpu.memory_space<vmem>>
      %dma_start3A_40 = arith.constant 0 : i32
      %dma_start3A_41 = arith.constant 0 : i32
      %dma_start3A_42 = tpu.memref_slice %arg2[%dma_start3A_40, %dma_start3A_41] : memref<10000x256xi32, #tpu.memory_space<hbm>> -> memref<10000x256xi32, #tpu.memory_space<hbm>>
      tpu.enqueue_indirect_dma source(%dma_start3A_42 : memref<10000x256xi32, #tpu.memory_space<hbm>>) target(%arg10 : memref<40x256xi32, #tpu.memory_space<vmem>>) offsets(%dma_start3A : memref<40xi32, #tpu.memory_space<vmem>>) semaphore(%arg14 : memref<!tpu.dma_semaphore, #tpu.memory_space<semaphore_mem>>)
      %dma_start3A_43 = tpu.memref_slice %arg9[%mul3A_35] : memref<5120xi32, #tpu.memory_space<vmem>> -> memref<40xi32, #tpu.memory_space<vmem>>
      %dma_start3A_44 = arith.constant 0 : i32
      %dma_start3A_45 = arith.constant 0 : i32
      %dma_start3A_46 = tpu.memref_slice %arg3[%dma_start3A_44, %dma_start3A_45] : memref<10000x256xi32, #tpu.memory_space<hbm>> -> memref<10000x256xi32, #tpu.memory_space<hbm>>
      tpu.enqueue_indirect_dma source(%dma_start3A_46 : memref<10000x256xi32, #tpu.memory_space<hbm>>) target(%arg11 : memref<40x256xi32, #tpu.memory_space<vmem>>) offsets(%dma_start3A_43 : memref<40xi32, #tpu.memory_space<vmem>>) semaphore(%arg14 : memref<!tpu.dma_semaphore, #tpu.memory_space<semaphore_mem>>)
      %dma_start3A_47 = tpu.memref_slice %arg8[%add3A_37] : memref<5120xi32, #tpu.memory_space<vmem>> -> memref<40xi32, #tpu.memory_space<vmem>>
      %dma_start3A_48 = arith.constant 0 : i32
      %dma_start3A_49 = arith.constant 0 : i32
      %dma_start3A_50 = tpu.memref_slice %arg2[%dma_start3A_48, %dma_start3A_49] : memref<10000x256xi32, #tpu.memory_space<hbm>> -> memref<10000x256xi32, #tpu.memory_space<hbm>>
      tpu.enqueue_indirect_dma source(%dma_start3A_50 : memref<10000x256xi32, #tpu.memory_space<hbm>>) target(%arg12 : memref<40x256xi32, #tpu.memory_space<vmem>>) offsets(%dma_start3A_47 : memref<40xi32, #tpu.memory_space<vmem>>) semaphore(%arg14 : memref<!tpu.dma_semaphore, #tpu.memory_space<semaphore_mem>>)
      %dma_start3A_51 = tpu.memref_slice %arg9[%add3A_37] : memref<5120xi32, #tpu.memory_space<vmem>> -> memref<40xi32, #tpu.memory_space<vmem>>
      %dma_start3A_52 = arith.constant 0 : i32
      %dma_start3A_53 = arith.constant 0 : i32
      %dma_start3A_54 = tpu.memref_slice %arg3[%dma_start3A_52, %dma_start3A_53] : memref<10000x256xi32, #tpu.memory_space<hbm>> -> memref<10000x256xi32, #tpu.memory_space<hbm>>
      tpu.enqueue_indirect_dma source(%dma_start3A_54 : memref<10000x256xi32, #tpu.memory_space<hbm>>) target(%arg13 : memref<40x256xi32, #tpu.memory_space<vmem>>) offsets(%dma_start3A_51 : memref<40xi32, #tpu.memory_space<vmem>>) semaphore(%arg14 : memref<!tpu.dma_semaphore, #tpu.memory_space<semaphore_mem>>)
      %dma_wait3A_55 = tpu.memref_slice %arg8[%mul3A_35] : memref<5120xi32, #tpu.memory_space<vmem>> -> memref<40xi32, #tpu.memory_space<vmem>>
      %dma_wait3A_56 = arith.constant 0 : i32
      %dma_wait3A_57 = arith.constant 0 : i32
      %dma_wait3A_58 = tpu.memref_slice %arg2[%dma_wait3A_56, %dma_wait3A_57] : memref<10000x256xi32, #tpu.memory_space<hbm>> -> memref<10000x256xi32, #tpu.memory_space<hbm>>
      tpu.wait_indirect_dma semaphore(%arg14 : memref<!tpu.dma_semaphore, #tpu.memory_space<semaphore_mem>>) src(%dma_wait3A_58 : memref<10000x256xi32, #tpu.memory_space<hbm>>) dst(%arg10 : memref<40x256xi32, #tpu.memory_space<vmem>>)
      %dma_wait3A_59 = tpu.memref_slice %arg9[%mul3A_35] : memref<5120xi32, #tpu.memory_space<vmem>> -> memref<40xi32, #tpu.memory_space<vmem>>
      %dma_wait3A_60 = arith.constant 0 : i32
      %dma_wait3A_61 = arith.constant 0 : i32
      %dma_wait3A_62 = tpu.memref_slice %arg3[%dma_wait3A_60, %dma_wait3A_61] : memref<10000x256xi32, #tpu.memory_space<hbm>> -> memref<10000x256xi32, #tpu.memory_space<hbm>>
      tpu.wait_indirect_dma semaphore(%arg14 : memref<!tpu.dma_semaphore, #tpu.memory_space<semaphore_mem>>) src(%dma_wait3A_62 : memref<10000x256xi32, #tpu.memory_space<hbm>>) dst(%arg11 : memref<40x256xi32, #tpu.memory_space<vmem>>)
      %dma_wait3A_63 = tpu.memref_slice %arg8[%add3A_37] : memref<5120xi32, #tpu.memory_space<vmem>> -> memref<40xi32, #tpu.memory_space<vmem>>
      %dma_wait3A_64 = arith.constant 0 : i32
      %dma_wait3A_65 = arith.constant 0 : i32
      %dma_wait3A_66 = tpu.memref_slice %arg2[%dma_wait3A_64, %dma_wait3A_65] : memref<10000x256xi32, #tpu.memory_space<hbm>> -> memref<10000x256xi32, #tpu.memory_space<hbm>>
      tpu.wait_indirect_dma semaphore(%arg14 : memref<!tpu.dma_semaphore, #tpu.memory_space<semaphore_mem>>) src(%dma_wait3A_66 : memref<10000x256xi32, #tpu.memory_space<hbm>>) dst(%arg12 : memref<40x256xi32, #tpu.memory_space<vmem>>)
      %dma_wait3A_67 = tpu.memref_slice %arg9[%add3A_37] : memref<5120xi32, #tpu.memory_space<vmem>> -> memref<40xi32, #tpu.memory_space<vmem>>
      %dma_wait3A_68 = arith.constant 0 : i32
      %dma_wait3A_69 = arith.constant 0 : i32
      %dma_wait3A_70 = tpu.memref_slice %arg3[%dma_wait3A_68, %dma_wait3A_69] : memref<10000x256xi32, #tpu.memory_space<hbm>> -> memref<10000x256xi32, #tpu.memory_space<hbm>>
      tpu.wait_indirect_dma semaphore(%arg14 : memref<!tpu.dma_semaphore, #tpu.memory_space<semaphore_mem>>) src(%dma_wait3A_70 : memref<10000x256xi32, #tpu.memory_space<hbm>>) dst(%arg13 : memref<40x256xi32, #tpu.memory_space<vmem>>)
      %add3A_71 = arith.addi %mul3A_2, %mul3A_35 : i32
      %dma_start3A_72 = arith.constant 0 : i32
      %dma_start3A_73 = tpu.memref_slice %arg6[%add3A_71, %dma_start3A_72] : memref<163840x256xi32, #tpu.memory_space<hbm>> -> memref<40x256xi32, #tpu.memory_space<hbm>>
      %dma_start3A_74 = arith.constant 0 : i32
      %dma_start3A_75 = tpu.memref_slice %arg6[%add3A_71, %dma_start3A_74] : memref<163840x256xi32, #tpu.memory_space<hbm>> -> memref<40x256xi32, #tpu.memory_space<hbm>>
      tpu.enqueue_dma source(%arg10 : memref<40x256xi32, #tpu.memory_space<vmem>>) target(%dma_start3A_75 : memref<40x256xi32, #tpu.memory_space<hbm>>) target_semaphore(%arg15 : memref<!tpu.dma_semaphore, #tpu.memory_space<semaphore_mem>>)
      %dma_start3A_76 = arith.constant 0 : i32
      %dma_start3A_77 = tpu.memref_slice %arg7[%add3A_71, %dma_start3A_76] : memref<163840x256xi32, #tpu.memory_space<hbm>> -> memref<40x256xi32, #tpu.memory_space<hbm>>
      %dma_start3A_78 = arith.constant 0 : i32
      %dma_start3A_79 = tpu.memref_slice %arg7[%add3A_71, %dma_start3A_78] : memref<163840x256xi32, #tpu.memory_space<hbm>> -> memref<40x256xi32, #tpu.memory_space<hbm>>
      tpu.enqueue_dma source(%arg11 : memref<40x256xi32, #tpu.memory_space<vmem>>) target(%dma_start3A_79 : memref<40x256xi32, #tpu.memory_space<hbm>>) target_semaphore(%arg15 : memref<!tpu.dma_semaphore, #tpu.memory_space<semaphore_mem>>)
      %add3A_80 = arith.addi %mul3A_2, %add3A_37 : i32
      %dma_start3A_81 = arith.constant 0 : i32
      %dma_start3A_82 = tpu.memref_slice %arg6[%add3A_80, %dma_start3A_81] : memref<163840x256xi32, #tpu.memory_space<hbm>> -> memref<40x256xi32, #tpu.memory_space<hbm>>
      %dma_start3A_83 = arith.constant 0 : i32
      %dma_start3A_84 = tpu.memref_slice %arg6[%add3A_80, %dma_start3A_83] : memref<163840x256xi32, #tpu.memory_space<hbm>> -> memref<40x256xi32, #tpu.memory_space<hbm>>
      tpu.enqueue_dma source(%arg12 : memref<40x256xi32, #tpu.memory_space<vmem>>) target(%dma_start3A_84 : memref<40x256xi32, #tpu.memory_space<hbm>>) target_semaphore(%arg15 : memref<!tpu.dma_semaphore, #tpu.memory_space<semaphore_mem>>)
      %dma_start3A_85 = arith.constant 0 : i32
      %dma_start3A_86 = tpu.memref_slice %arg7[%add3A_80, %dma_start3A_85] : memref<163840x256xi32, #tpu.memory_space<hbm>> -> memref<40x256xi32, #tpu.memory_space<hbm>>
      %dma_start3A_87 = arith.constant 0 : i32
      %dma_start3A_88 = tpu.memref_slice %arg7[%add3A_80, %dma_start3A_87] : memref<163840x256xi32, #tpu.memory_space<hbm>> -> memref<40x256xi32, #tpu.memory_space<hbm>>
      tpu.enqueue_dma source(%arg13 : memref<40x256xi32, #tpu.memory_space<vmem>>) target(%dma_start3A_88 : memref<40x256xi32, #tpu.memory_space<hbm>>) target_semaphore(%arg15 : memref<!tpu.dma_semaphore, #tpu.memory_space<semaphore_mem>>)
    }
    %scan3A_7 = arith.constant 64 : i32
    %dma_wait3A = arith.constant 0 : i32
    %dma_wait3A_8 = arith.constant 0 : i32
    %dma_wait3A_9 = tpu.memref_slice %arg6[%dma_wait3A, %dma_wait3A_8] : memref<163840x256xi32, #tpu.memory_space<hbm>> -> memref<40x256xi32, #tpu.memory_space<hbm>>
    %dma_wait3A_10 = arith.constant 0 : i32
    %dma_wait3A_11 = arith.constant 0 : i32
    %dma_wait3A_12 = tpu.memref_slice %arg6[%dma_wait3A_10, %dma_wait3A_11] : memref<163840x256xi32, #tpu.memory_space<hbm>> -> memref<40x256xi32, #tpu.memory_space<hbm>>
    tpu.wait_dma2 semaphore(%arg15 : memref<!tpu.dma_semaphore, #tpu.memory_space<semaphore_mem>>) src(%arg10 : memref<40x256xi32, #tpu.memory_space<vmem>>) dst(%dma_wait3A_12 : memref<40x256xi32, #tpu.memory_space<hbm>>)
    %dma_wait3A_13 = arith.constant 0 : i32
    %dma_wait3A_14 = arith.constant 0 : i32
    %dma_wait3A_15 = tpu.memref_slice %arg6[%dma_wait3A_13, %dma_wait3A_14] : memref<163840x256xi32, #tpu.memory_space<hbm>> -> memref<40x256xi32, #tpu.memory_space<hbm>>
    %dma_wait3A_16 = arith.constant 0 : i32
    %dma_wait3A_17 = arith.constant 0 : i32
    %dma_wait3A_18 = tpu.memref_slice %arg6[%dma_wait3A_16, %dma_wait3A_17] : memref<163840x256xi32, #tpu.memory_space<hbm>> -> memref<40x256xi32, #tpu.memory_space<hbm>>
    tpu.wait_dma2 semaphore(%arg15 : memref<!tpu.dma_semaphore, #tpu.memory_space<semaphore_mem>>) src(%arg10 : memref<40x256xi32, #tpu.memory_space<vmem>>) dst(%dma_wait3A_18 : memref<40x256xi32, #tpu.memory_space<hbm>>)
    %dma_wait3A_19 = arith.constant 0 : i32
    %dma_wait3A_20 = arith.constant 0 : i32
    %dma_wait3A_21 = tpu.memref_slice %arg6[%dma_wait3A_19, %dma_wait3A_20] : memref<163840x256xi32, #tpu.memory_space<hbm>> -> memref<40x256xi32, #tpu.memory_space<hbm>>
    %dma_wait3A_22 = arith.constant 0 : i32
    %dma_wait3A_23 = arith.constant 0 : i32
    %dma_wait3A_24 = tpu.memref_slice %arg6[%dma_wait3A_22, %dma_wait3A_23] : memref<163840x256xi32, #tpu.memory_space<hbm>> -> memref<40x256xi32, #tpu.memory_space<hbm>>
    tpu.wait_dma2 semaphore(%arg15 : memref<!tpu.dma_semaphore, #tpu.memory_space<semaphore_mem>>) src(%arg10 : memref<40x256xi32, #tpu.memory_space<vmem>>) dst(%dma_wait3A_24 : memref<40x256xi32, #tpu.memory_space<hbm>>)
    %dma_wait3A_25 = arith.constant 0 : i32
    %dma_wait3A_26 = arith.constant 0 : i32
    %dma_wait3A_27 = tpu.memref_slice %arg6[%dma_wait3A_25, %dma_wait3A_26] : memref<163840x256xi32, #tpu.memory_space<hbm>> -> memref<40x256xi32, #tpu.memory_space<hbm>>
    %dma_wait3A_28 = arith.constant 0 : i32
    %dma_wait3A_29 = arith.constant 0 : i32
    %dma_wait3A_30 = tpu.memref_slice %arg6[%dma_wait3A_28, %dma_wait3A_29] : memref<163840x256xi32, #tpu.memory_space<hbm>> -> memref<40x256xi32, #tpu.memory_space<hbm>>
    tpu.wait_dma2 semaphore(%arg15 : memref<!tpu.dma_semaphore, #tpu.memory_space<semaphore_mem>>) src(%arg10 : memref<40x256xi32, #tpu.memory_space<vmem>>) dst(%dma_wait3A_30 : memref<40x256xi32, #tpu.memory_space<hbm>>)
    return
  }
}

module attributes {stable_mosaic.version = 14 : i64} {
  func.func @_pre_body(%arg0: i32, %arg1: memref<1000x256xf32, #tpu.memory_space<vmem>>, %arg2: memref<256x512xf32, #tpu.memory_space<vmem>>, %arg3: memref<256x512xf32, #tpu.memory_space<vmem>>, %arg4: memref<1x512xf32, #tpu.memory_space<vmem>>, %arg5: memref<1000x256xi32, #tpu.memory_space<vmem>>, %arg6: memref<1000x256xi32, #tpu.memory_space<vmem>>) attributes {dimension_semantics = [#tpu.dimension_semantics<arbitrary>], iteration_bounds = array<i64: 10>, scalar_prefetch = 0 : i64, scratch_operands = 0 : i64, tpu.core_type = #tpu.core_type<tc>, window_params = [{transform_indices = @transform_0, window_bounds = array<i64: 1000, 256>}, {pipeline_mode = #tpu.pipeline_mode<synchronous>, transform_indices = @transform_1, window_bounds = array<i64: 256, 512>}, {pipeline_mode = #tpu.pipeline_mode<synchronous>, transform_indices = @transform_2, window_bounds = array<i64: 256, 512>}, {pipeline_mode = #tpu.pipeline_mode<synchronous>, transform_indices = @transform_3, window_bounds = array<i64: 1, 512>}, {transform_indices = @transform_4, window_bounds = array<i64: 1000, 256>}, {transform_indices = @transform_5, window_bounds = array<i64: 1000, 256>}]} {
    %get3A = arith.constant 0 : index
    %get3A_0 = arith.constant 0 : index
    %get3A_1 = vector.load %arg1[%get3A, %get3A_0] : memref<1000x256xf32, #tpu.memory_space<vmem>>, vector<1000x256xf32>
    %get3A_2 = arith.constant 0 : index
    %get3A_3 = arith.constant 0 : index
    %get3A_4 = vector.load %arg2[%get3A_2, %get3A_3] : memref<256x512xf32, #tpu.memory_space<vmem>>, vector<256x512xf32>
    %dot_general3A = arith.constant dense<0.000000e+00> : vector<1000x512xf32>
    %dot_general3A_5 = tpu.matmul %get3A_1, %get3A_4, %dot_general3A {dimension_numbers = #tpu.dot_dimension_numbers<[1], [0], [0], [1], [0, 0, 1, 1], [], []>, transpose_lhs_hint = false} : vector<1000x256xf32>, vector<256x512xf32>, vector<1000x512xf32> -> vector<1000x512xf32>
    %get3A_6 = arith.constant 0 : index
    %get3A_7 = arith.constant 0 : index
    %get3A_8 = vector.load %arg4[%get3A_6, %get3A_7] : memref<1x512xf32, #tpu.memory_space<vmem>>, vector<1x512xf32>
    %add3A = vector.broadcast %get3A_8 : vector<1x512xf32> to vector<1000x512xf32>
    %add3A_9 = arith.addf %dot_general3A_5, %add3A : vector<1000x512xf32>
    %slice3A = vector.extract_strided_slice %add3A_9 {offsets = [0, 0], sizes = [1000, 256], strides = [1, 1]} : vector<1000x512xf32> to vector<1000x256xf32>
    %slice3A_10 = vector.extract_strided_slice %add3A_9 {offsets = [0, 256], sizes = [1000, 256], strides = [1, 1]} : vector<1000x512xf32> to vector<1000x256xf32>
    %bitcast_convert_type3A = tpu.bitcast %slice3A : vector<1000x256xf32> -> vector<1000x256xi32>
    %add3A_11 = arith.constant 32767 : i32
    %add3A_12 = vector.broadcast %add3A_11 : i32 to vector<1000x256xi32>
    %add3A_13 = arith.addi %bitcast_convert_type3A, %add3A_12 : vector<1000x256xi32>
    %shift_right_logical3A = arith.constant 16 : i32
    %shift_right_logical3A_14 = vector.broadcast %shift_right_logical3A : i32 to vector<1000x256xi32>
    %shift_right_logical3A_15 = arith.shrui %bitcast_convert_type3A, %shift_right_logical3A_14 : vector<1000x256xi32>
    %and3A = arith.constant 1 : i32
    %and3A_16 = vector.broadcast %and3A : i32 to vector<1000x256xi32>
    %and3A_17 = arith.andi %shift_right_logical3A_15, %and3A_16 : vector<1000x256xi32>
    %add3A_18 = arith.addi %add3A_13, %and3A_17 : vector<1000x256xi32>
    %shift_right_logical3A_19 = arith.constant 16 : i32
    %shift_right_logical3A_20 = vector.broadcast %shift_right_logical3A_19 : i32 to vector<1000x256xi32>
    %shift_right_logical3A_21 = arith.shrui %add3A_18, %shift_right_logical3A_20 : vector<1000x256xi32>
    %bitcast_convert_type3A_22 = tpu.bitcast %slice3A_10 : vector<1000x256xf32> -> vector<1000x256xi32>
    %add3A_23 = arith.constant 32767 : i32
    %add3A_24 = vector.broadcast %add3A_23 : i32 to vector<1000x256xi32>
    %add3A_25 = arith.addi %bitcast_convert_type3A_22, %add3A_24 : vector<1000x256xi32>
    %shift_right_logical3A_26 = arith.constant 16 : i32
    %shift_right_logical3A_27 = vector.broadcast %shift_right_logical3A_26 : i32 to vector<1000x256xi32>
    %shift_right_logical3A_28 = arith.shrui %bitcast_convert_type3A_22, %shift_right_logical3A_27 : vector<1000x256xi32>
    %and3A_29 = arith.constant 1 : i32
    %and3A_30 = vector.broadcast %and3A_29 : i32 to vector<1000x256xi32>
    %and3A_31 = arith.andi %shift_right_logical3A_28, %and3A_30 : vector<1000x256xi32>
    %add3A_32 = arith.addi %add3A_25, %and3A_31 : vector<1000x256xi32>
    %and3A_33 = arith.constant -65536 : i32
    %and3A_34 = vector.broadcast %and3A_33 : i32 to vector<1000x256xi32>
    %and3A_35 = arith.andi %add3A_32, %and3A_34 : vector<1000x256xi32>
    %or3A = arith.ori %and3A_35, %shift_right_logical3A_21 : vector<1000x256xi32>
    %swap3A = arith.constant 0 : index
    %swap3A_36 = arith.constant 0 : index
    %swap3A_37 = vector.load %arg5[%swap3A, %swap3A_36] : memref<1000x256xi32, #tpu.memory_space<vmem>>, vector<1000x256xi32>
    tpu.vector_store %arg5[%swap3A, %swap3A_36], %or3A {strides = array<i32>} : memref<1000x256xi32, #tpu.memory_space<vmem>>, vector<1000x256xi32>,
    %get3A_38 = arith.constant 0 : index
    %get3A_39 = arith.constant 0 : index
    %get3A_40 = vector.load %arg3[%get3A_38, %get3A_39] : memref<256x512xf32, #tpu.memory_space<vmem>>, vector<256x512xf32>
    %dot_general3A_41 = arith.constant dense<0.000000e+00> : vector<1000x512xf32>
    %dot_general3A_42 = tpu.matmul %get3A_1, %get3A_40, %dot_general3A_41 {dimension_numbers = #tpu.dot_dimension_numbers<[1], [0], [0], [1], [0, 0, 1, 1], [], []>, transpose_lhs_hint = false} : vector<1000x256xf32>, vector<256x512xf32>, vector<1000x512xf32> -> vector<1000x512xf32>
    %slice3A_43 = vector.extract_strided_slice %dot_general3A_42 {offsets = [0, 0], sizes = [1000, 256], strides = [1, 1]} : vector<1000x512xf32> to vector<1000x256xf32>
    %slice3A_44 = vector.extract_strided_slice %dot_general3A_42 {offsets = [0, 256], sizes = [1000, 256], strides = [1, 1]} : vector<1000x512xf32> to vector<1000x256xf32>
    %bitcast_convert_type3A_45 = tpu.bitcast %slice3A_43 : vector<1000x256xf32> -> vector<1000x256xi32>
    %add3A_46 = arith.constant 32767 : i32
    %add3A_47 = vector.broadcast %add3A_46 : i32 to vector<1000x256xi32>
    %add3A_48 = arith.addi %bitcast_convert_type3A_45, %add3A_47 : vector<1000x256xi32>
    %shift_right_logical3A_49 = arith.constant 16 : i32
    %shift_right_logical3A_50 = vector.broadcast %shift_right_logical3A_49 : i32 to vector<1000x256xi32>
    %shift_right_logical3A_51 = arith.shrui %bitcast_convert_type3A_45, %shift_right_logical3A_50 : vector<1000x256xi32>
    %and3A_52 = arith.constant 1 : i32
    %and3A_53 = vector.broadcast %and3A_52 : i32 to vector<1000x256xi32>
    %and3A_54 = arith.andi %shift_right_logical3A_51, %and3A_53 : vector<1000x256xi32>
    %add3A_55 = arith.addi %add3A_48, %and3A_54 : vector<1000x256xi32>
    %shift_right_logical3A_56 = arith.constant 16 : i32
    %shift_right_logical3A_57 = vector.broadcast %shift_right_logical3A_56 : i32 to vector<1000x256xi32>
    %shift_right_logical3A_58 = arith.shrui %add3A_55, %shift_right_logical3A_57 : vector<1000x256xi32>
    %bitcast_convert_type3A_59 = tpu.bitcast %slice3A_44 : vector<1000x256xf32> -> vector<1000x256xi32>
    %add3A_60 = arith.constant 32767 : i32
    %add3A_61 = vector.broadcast %add3A_60 : i32 to vector<1000x256xi32>
    %add3A_62 = arith.addi %bitcast_convert_type3A_59, %add3A_61 : vector<1000x256xi32>
    %shift_right_logical3A_63 = arith.constant 16 : i32
    %shift_right_logical3A_64 = vector.broadcast %shift_right_logical3A_63 : i32 to vector<1000x256xi32>
    %shift_right_logical3A_65 = arith.shrui %bitcast_convert_type3A_59, %shift_right_logical3A_64 : vector<1000x256xi32>
    %and3A_66 = arith.constant 1 : i32
    %and3A_67 = vector.broadcast %and3A_66 : i32 to vector<1000x256xi32>
    %and3A_68 = arith.andi %shift_right_logical3A_65, %and3A_67 : vector<1000x256xi32>
    %add3A_69 = arith.addi %add3A_62, %and3A_68 : vector<1000x256xi32>
    %and3A_70 = arith.constant -65536 : i32
    %and3A_71 = vector.broadcast %and3A_70 : i32 to vector<1000x256xi32>
    %and3A_72 = arith.andi %add3A_69, %and3A_71 : vector<1000x256xi32>
    %or3A_73 = arith.ori %and3A_72, %shift_right_logical3A_58 : vector<1000x256xi32>
    %swap3A_74 = arith.constant 0 : index
    %swap3A_75 = arith.constant 0 : index
    %swap3A_76 = vector.load %arg6[%swap3A_74, %swap3A_75] : memref<1000x256xi32, #tpu.memory_space<vmem>>, vector<1000x256xi32>
    tpu.vector_store %arg6[%swap3A_74, %swap3A_75], %or3A_73 {strides = array<i32>} : memref<1000x256xi32, #tpu.memory_space<vmem>>, vector<1000x256xi32>,
    return
  }
  func.func @transform_0(%arg0: i32) -> (i32, i32) {
    %c0_i32 = arith.constant 0 : i32
    %c0_i32_0 = arith.constant 0 : i32
    return %arg0, %c0_i32 : i32, i32
  }
  func.func @transform_1(%arg0: i32) -> (i32, i32) {
    %c0_i32 = arith.constant 0 : i32
    %c0_i32_0 = arith.constant 0 : i32
    %c0_i32_1 = arith.constant 0 : i32
    return %c0_i32, %c0_i32_0 : i32, i32
  }
  func.func @transform_2(%arg0: i32) -> (i32, i32) {
    %c0_i32 = arith.constant 0 : i32
    %c0_i32_0 = arith.constant 0 : i32
    %c0_i32_1 = arith.constant 0 : i32
    return %c0_i32, %c0_i32_0 : i32, i32
  }
  func.func @transform_3(%arg0: i32) -> (i32, i32) {
    %c0_i32 = arith.constant 0 : i32
    %c0_i32_0 = arith.constant 0 : i32
    %c0_i32_1 = arith.constant 0 : i32
    return %c0_i32, %c0_i32_0 : i32, i32
  }
  func.func @transform_4(%arg0: i32) -> (i32, i32) {
    %c0_i32 = arith.constant 0 : i32
    %c0_i32_0 = arith.constant 0 : i32
    return %arg0, %c0_i32 : i32, i32
  }
  func.func @transform_5(%arg0: i32) -> (i32, i32) {
    %c0_i32 = arith.constant 0 : i32
    %c0_i32_0 = arith.constant 0 : i32
    return %arg0, %c0_i32 : i32, i32
  }
}

module attributes {stable_mosaic.version = 14 : i64} {
  func.func @_edge_body(%arg0: i32, %arg1: memref<640x256xi32, #tpu.memory_space<vmem>>, %arg2: memref<640x256xi32, #tpu.memory_space<vmem>>, %arg3: memref<640x256xf32, #tpu.memory_space<vmem>>, %arg4: memref<256x512xbf16, #tpu.memory_space<vmem>>, %arg5: memref<512x256xbf16, #tpu.memory_space<vmem>>, %arg6: memref<1x256xf32, #tpu.memory_space<vmem>>, %arg7: memref<640x256xf32, #tpu.memory_space<vmem>>) attributes {dimension_semantics = [#tpu.dimension_semantics<arbitrary>], iteration_bounds = array<i64: 256>, scalar_prefetch = 0 : i64, scratch_operands = 0 : i64, tpu.core_type = #tpu.core_type<tc>, window_params = [{transform_indices = @transform_0, window_bounds = array<i64: 640, 256>}, {transform_indices = @transform_1, window_bounds = array<i64: 640, 256>}, {transform_indices = @transform_2, window_bounds = array<i64: 640, 256>}, {pipeline_mode = #tpu.pipeline_mode<synchronous>, transform_indices = @transform_3, window_bounds = array<i64: 256, 512>}, {pipeline_mode = #tpu.pipeline_mode<synchronous>, transform_indices = @transform_4, window_bounds = array<i64: 512, 256>}, {pipeline_mode = #tpu.pipeline_mode<synchronous>, transform_indices = @transform_5, window_bounds = array<i64: 1, 256>}, {transform_indices = @transform_6, window_bounds = array<i64: 640, 256>}]} {
    %get3A = arith.constant 0 : index
    %get3A_0 = arith.constant 0 : index
    %get3A_1 = vector.load %arg3[%get3A, %get3A_0] : memref<640x256xf32, #tpu.memory_space<vmem>>, vector<640x256xf32>
    %convert_element_type3A = arith.truncf %get3A_1 : vector<640x256xf32> to vector<640x256xbf16>
    %get3A_2 = arith.constant 0 : index
    %get3A_3 = arith.constant 0 : index
    %get3A_4 = vector.load %arg1[%get3A_2, %get3A_3] : memref<640x256xi32, #tpu.memory_space<vmem>>, vector<640x256xi32>
    %get3A_5 = arith.constant 0 : index
    %get3A_6 = arith.constant 0 : index
    %get3A_7 = vector.load %arg2[%get3A_5, %get3A_6] : memref<640x256xi32, #tpu.memory_space<vmem>>, vector<640x256xi32>
    %shift_left3A = arith.constant 16 : i32
    %shift_left3A_8 = vector.broadcast %shift_left3A : i32 to vector<640x256xi32>
    %shift_left3A_9 = arith.shli %get3A_4, %shift_left3A_8 : vector<640x256xi32>
    %bitcast_convert_type3A = tpu.bitcast %shift_left3A_9 : vector<640x256xi32> -> vector<640x256xf32>
    %shift_left3A_10 = arith.constant 16 : i32
    %shift_left3A_11 = vector.broadcast %shift_left3A_10 : i32 to vector<640x256xi32>
    %shift_left3A_12 = arith.shli %get3A_7, %shift_left3A_11 : vector<640x256xi32>
    %bitcast_convert_type3A_13 = tpu.bitcast %shift_left3A_12 : vector<640x256xi32> -> vector<640x256xf32>
    %add3A = arith.addf %bitcast_convert_type3A, %bitcast_convert_type3A_13 : vector<640x256xf32>
    %get3A_14 = arith.constant 0 : index
    %get3A_15 = arith.constant 0 : index
    %get3A_16 = vector.load %arg4[%get3A_14, %get3A_15] : memref<256x512xbf16, #tpu.memory_space<vmem>>, vector<256x256xbf16>
    %dot_general3A = arith.constant dense<0.000000e+00> : vector<640x256xf32>
    %dot_general3A_17 = tpu.matmul %convert_element_type3A, %get3A_16, %dot_general3A {dimension_numbers = #tpu.dot_dimension_numbers<[1], [0], [0], [1], [0, 0, 1, 1], [], []>, transpose_lhs_hint = false} : vector<640x256xbf16>, vector<256x256xbf16>, vector<640x256xf32> -> vector<640x256xf32>
    %add3A_18 = arith.addf %add3A, %dot_general3A_17 : vector<640x256xf32>
    %and3A = arith.constant -65536 : i32
    %and3A_19 = vector.broadcast %and3A : i32 to vector<640x256xi32>
    %and3A_20 = arith.andi %get3A_4, %and3A_19 : vector<640x256xi32>
    %bitcast_convert_type3A_21 = tpu.bitcast %and3A_20 : vector<640x256xi32> -> vector<640x256xf32>
    %and3A_22 = arith.constant -65536 : i32
    %and3A_23 = vector.broadcast %and3A_22 : i32 to vector<640x256xi32>
    %and3A_24 = arith.andi %get3A_7, %and3A_23 : vector<640x256xi32>
    %bitcast_convert_type3A_25 = tpu.bitcast %and3A_24 : vector<640x256xi32> -> vector<640x256xf32>
    %add3A_26 = arith.addf %bitcast_convert_type3A_21, %bitcast_convert_type3A_25 : vector<640x256xf32>
    %get3A_27 = arith.constant 0 : index
    %get3A_28 = arith.constant 256 : index
    %get3A_29 = vector.load %arg4[%get3A_27, %get3A_28] : memref<256x512xbf16, #tpu.memory_space<vmem>>, vector<256x256xbf16>
    %dot_general3A_30 = arith.constant dense<0.000000e+00> : vector<640x256xf32>
    %dot_general3A_31 = tpu.matmul %convert_element_type3A, %get3A_29, %dot_general3A_30 {dimension_numbers = #tpu.dot_dimension_numbers<[1], [0], [0], [1], [0, 0, 1, 1], [], []>, transpose_lhs_hint = false} : vector<640x256xbf16>, vector<256x256xbf16>, vector<640x256xf32> -> vector<640x256xf32>
    %add3A_32 = arith.addf %add3A_26, %dot_general3A_31 : vector<640x256xf32>
    %max3A = arith.constant 0.000000e+00 : f32
    %max3A_33 = vector.broadcast %max3A : f32 to vector<640x256xf32>
    %max3A_34 = arith.maximumf %add3A_18, %max3A_33 : vector<640x256xf32>
    %convert_element_type3A_35 = arith.truncf %max3A_34 : vector<640x256xf32> to vector<640x256xbf16>
    %max3A_36 = arith.constant 0.000000e+00 : f32
    %max3A_37 = vector.broadcast %max3A_36 : f32 to vector<640x256xf32>
    %max3A_38 = arith.maximumf %add3A_32, %max3A_37 : vector<640x256xf32>
    %convert_element_type3A_39 = arith.truncf %max3A_38 : vector<640x256xf32> to vector<640x256xbf16>
    %get3A_40 = arith.constant 0 : index
    %get3A_41 = arith.constant 0 : index
    %get3A_42 = vector.load %arg5[%get3A_40, %get3A_41] : memref<512x256xbf16, #tpu.memory_space<vmem>>, vector<256x256xbf16>
    %dot_general3A_43 = arith.constant dense<0.000000e+00> : vector<640x256xf32>
    %dot_general3A_44 = tpu.matmul %convert_element_type3A_35, %get3A_42, %dot_general3A_43 {dimension_numbers = #tpu.dot_dimension_numbers<[1], [0], [0], [1], [0, 0, 1, 1], [], []>, transpose_lhs_hint = false} : vector<640x256xbf16>, vector<256x256xbf16>, vector<640x256xf32> -> vector<640x256xf32>
    %get3A_45 = arith.constant 256 : index
    %get3A_46 = arith.constant 0 : index
    %get3A_47 = vector.load %arg5[%get3A_45, %get3A_46] : memref<512x256xbf16, #tpu.memory_space<vmem>>, vector<256x256xbf16>
    %dot_general3A_48 = arith.constant dense<0.000000e+00> : vector<640x256xf32>
    %dot_general3A_49 = tpu.matmul %convert_element_type3A_39, %get3A_47, %dot_general3A_48 {dimension_numbers = #tpu.dot_dimension_numbers<[1], [0], [0], [1], [0, 0, 1, 1], [], []>, transpose_lhs_hint = false} : vector<640x256xbf16>, vector<256x256xbf16>, vector<640x256xf32> -> vector<640x256xf32>
    %add3A_50 = arith.addf %dot_general3A_44, %dot_general3A_49 : vector<640x256xf32>
    %get3A_51 = arith.constant 0 : index
    %get3A_52 = arith.constant 0 : index
    %get3A_53 = vector.load %arg6[%get3A_51, %get3A_52] : memref<1x256xf32, #tpu.memory_space<vmem>>, vector<1x256xf32>
    %add3A_54 = vector.broadcast %get3A_53 : vector<1x256xf32> to vector<640x256xf32>
    %add3A_55 = arith.addf %add3A_50, %add3A_54 : vector<640x256xf32>
    %swap3A = arith.constant 0 : index
    %swap3A_56 = arith.constant 0 : index
    %swap3A_57 = vector.load %arg7[%swap3A, %swap3A_56] : memref<640x256xf32, #tpu.memory_space<vmem>>, vector<640x256xf32>
    tpu.vector_store %arg7[%swap3A, %swap3A_56], %add3A_55 {strides = array<i32>} : memref<640x256xf32, #tpu.memory_space<vmem>>, vector<640x256xf32>,
    return
  }
  func.func @transform_0(%arg0: i32) -> (i32, i32) {
    %c0_i32 = arith.constant 0 : i32
    %c0_i32_0 = arith.constant 0 : i32
    return %arg0, %c0_i32 : i32, i32
  }
  func.func @transform_1(%arg0: i32) -> (i32, i32) {
    %c0_i32 = arith.constant 0 : i32
    %c0_i32_0 = arith.constant 0 : i32
    return %arg0, %c0_i32 : i32, i32
  }
  func.func @transform_2(%arg0: i32) -> (i32, i32) {
    %min3A = arith.constant 249 : i32
    %min3A_0 = arith.minsi %arg0, %min3A : i32
    %c0_i32 = arith.constant 0 : i32
    %c0_i32_1 = arith.constant 0 : i32
    return %min3A_0, %c0_i32 : i32, i32
  }
  func.func @transform_3(%arg0: i32) -> (i32, i32) {
    %c0_i32 = arith.constant 0 : i32
    %c0_i32_0 = arith.constant 0 : i32
    %c0_i32_1 = arith.constant 0 : i32
    return %c0_i32, %c0_i32_0 : i32, i32
  }
  func.func @transform_4(%arg0: i32) -> (i32, i32) {
    %c0_i32 = arith.constant 0 : i32
    %c0_i32_0 = arith.constant 0 : i32
    %c0_i32_1 = arith.constant 0 : i32
    return %c0_i32, %c0_i32_0 : i32, i32
  }
  func.func @transform_5(%arg0: i32) -> (i32, i32) {
    %c0_i32 = arith.constant 0 : i32
    %c0_i32_0 = arith.constant 0 : i32
    %c0_i32_1 = arith.constant 0 : i32
    return %c0_i32, %c0_i32_0 : i32, i32
  }
  func.func @transform_6(%arg0: i32) -> (i32, i32) {
    %c0_i32 = arith.constant 0 : i32
    %c0_i32_0 = arith.constant 0 : i32
    return %arg0, %c0_i32 : i32, i32
  }
}

module attributes {stable_mosaic.version = 14 : i64} {
  func.func @_node_body(%arg0: i32, %arg1: memref<1000x256xf32, #tpu.memory_space<vmem>>, %arg2: memref<1000x256xf32, #tpu.memory_space<vmem>>, %arg3: memref<256x512xf32, #tpu.memory_space<vmem>>, %arg4: memref<256x512xf32, #tpu.memory_space<vmem>>, %arg5: memref<1x512xf32, #tpu.memory_space<vmem>>, %arg6: memref<512x256xf32, #tpu.memory_space<vmem>>, %arg7: memref<1x256xf32, #tpu.memory_space<vmem>>, %arg8: memref<1x256xf32, #tpu.memory_space<vmem>>, %arg9: memref<1x256xf32, #tpu.memory_space<vmem>>, %arg10: memref<1000x256xf32, #tpu.memory_space<vmem>>) attributes {dimension_semantics = [#tpu.dimension_semantics<arbitrary>], iteration_bounds = array<i64: 10>, scalar_prefetch = 0 : i64, scratch_operands = 0 : i64, tpu.core_type = #tpu.core_type<tc>, window_params = [{transform_indices = @transform_0, window_bounds = array<i64: 1000, 256>}, {transform_indices = @transform_1, window_bounds = array<i64: 1000, 256>}, {pipeline_mode = #tpu.pipeline_mode<synchronous>, transform_indices = @transform_2, window_bounds = array<i64: 256, 512>}, {pipeline_mode = #tpu.pipeline_mode<synchronous>, transform_indices = @transform_3, window_bounds = array<i64: 256, 512>}, {pipeline_mode = #tpu.pipeline_mode<synchronous>, transform_indices = @transform_4, window_bounds = array<i64: 1, 512>}, {pipeline_mode = #tpu.pipeline_mode<synchronous>, transform_indices = @transform_5, window_bounds = array<i64: 512, 256>}, {pipeline_mode = #tpu.pipeline_mode<synchronous>, transform_indices = @transform_6, window_bounds = array<i64: 1, 256>}, {pipeline_mode = #tpu.pipeline_mode<synchronous>, transform_indices = @transform_7, window_bounds = array<i64: 1, 256>}, {pipeline_mode = #tpu.pipeline_mode<synchronous>, transform_indices = @transform_8, window_bounds = array<i64: 1, 256>}, {transform_indices = @transform_9, window_bounds = array<i64: 1000, 256>}]} {
    %get3A = arith.constant 0 : index
    %get3A_0 = arith.constant 0 : index
    %get3A_1 = vector.load %arg1[%get3A, %get3A_0] : memref<1000x256xf32, #tpu.memory_space<vmem>>, vector<1000x256xf32>
    %get3A_2 = arith.constant 0 : index
    %get3A_3 = arith.constant 0 : index
    %get3A_4 = vector.load %arg3[%get3A_2, %get3A_3] : memref<256x512xf32, #tpu.memory_space<vmem>>, vector<256x512xf32>
    %dot_general3A = arith.constant dense<0.000000e+00> : vector<1000x512xf32>
    %dot_general3A_5 = tpu.matmul %get3A_1, %get3A_4, %dot_general3A {dimension_numbers = #tpu.dot_dimension_numbers<[1], [0], [0], [1], [0, 0, 1, 1], [], []>, transpose_lhs_hint = false} : vector<1000x256xf32>, vector<256x512xf32>, vector<1000x512xf32> -> vector<1000x512xf32>
    %get3A_6 = arith.constant 0 : index
    %get3A_7 = arith.constant 0 : index
    %get3A_8 = vector.load %arg2[%get3A_6, %get3A_7] : memref<1000x256xf32, #tpu.memory_space<vmem>>, vector<1000x256xf32>
    %get3A_9 = arith.constant 0 : index
    %get3A_10 = arith.constant 0 : index
    %get3A_11 = vector.load %arg4[%get3A_9, %get3A_10] : memref<256x512xf32, #tpu.memory_space<vmem>>, vector<256x512xf32>
    %dot_general3A_12 = arith.constant dense<0.000000e+00> : vector<1000x512xf32>
    %dot_general3A_13 = tpu.matmul %get3A_8, %get3A_11, %dot_general3A_12 {dimension_numbers = #tpu.dot_dimension_numbers<[1], [0], [0], [1], [0, 0, 1, 1], [], []>, transpose_lhs_hint = false} : vector<1000x256xf32>, vector<256x512xf32>, vector<1000x512xf32> -> vector<1000x512xf32>
    %add3A = arith.addf %dot_general3A_5, %dot_general3A_13 : vector<1000x512xf32>
    %get3A_14 = arith.constant 0 : index
    %get3A_15 = arith.constant 0 : index
    %get3A_16 = vector.load %arg5[%get3A_14, %get3A_15] : memref<1x512xf32, #tpu.memory_space<vmem>>, vector<1x512xf32>
    %add3A_17 = vector.broadcast %get3A_16 : vector<1x512xf32> to vector<1000x512xf32>
    %add3A_18 = arith.addf %add3A, %add3A_17 : vector<1000x512xf32>
    %max3A = arith.constant 0.000000e+00 : f32
    %max3A_19 = vector.broadcast %max3A : f32 to vector<1000x512xf32>
    %max3A_20 = arith.maximumf %add3A_18, %max3A_19 : vector<1000x512xf32>
    %get3A_21 = arith.constant 0 : index
    %get3A_22 = arith.constant 0 : index
    %get3A_23 = vector.load %arg6[%get3A_21, %get3A_22] : memref<512x256xf32, #tpu.memory_space<vmem>>, vector<512x256xf32>
    %dot_general3A_24 = arith.constant dense<0.000000e+00> : vector<1000x256xf32>
    %dot_general3A_25 = tpu.matmul %max3A_20, %get3A_23, %dot_general3A_24 {dimension_numbers = #tpu.dot_dimension_numbers<[1], [0], [0], [1], [0, 0, 1, 1], [], []>, transpose_lhs_hint = false} : vector<1000x512xf32>, vector<512x256xf32>, vector<1000x256xf32> -> vector<1000x256xf32>
    %get3A_26 = arith.constant 0 : index
    %get3A_27 = arith.constant 0 : index
    %get3A_28 = vector.load %arg7[%get3A_26, %get3A_27] : memref<1x256xf32, #tpu.memory_space<vmem>>, vector<1x256xf32>
    %add3A_29 = vector.broadcast %get3A_28 : vector<1x256xf32> to vector<1000x256xf32>
    %add3A_30 = arith.addf %dot_general3A_25, %add3A_29 : vector<1000x256xf32>
    %add3A_31 = arith.addf %get3A_1, %add3A_30 : vector<1000x256xf32>
    %reduce_sum3A = arith.constant dense<0.000000e+00> : vector<1000xf32>
    %reduce_sum3A_32 = vector.multi_reduction <add>, %add3A_31, %reduce_sum3A [1] : vector<1000x256xf32> to vector<1000xf32>
    %broadcast_in_dim3A = vector.shape_cast %reduce_sum3A_32 : vector<1000xf32> to vector<1000x1xf32>
    %div3A = arith.constant 2.560000e+02 : f32
    %div3A_33 = vector.broadcast %div3A : f32 to vector<1000x1xf32>
    %div3A_34 = arith.divf %broadcast_in_dim3A, %div3A_33 : vector<1000x1xf32>
    %sub3A = vector.broadcast %div3A_34 : vector<1000x1xf32> to vector<1000x256xf32>
    %sub3A_35 = arith.subf %add3A_31, %sub3A : vector<1000x256xf32>
    %mul3A = arith.mulf %sub3A_35, %sub3A_35 : vector<1000x256xf32>
    %reduce_sum3A_36 = arith.constant dense<0.000000e+00> : vector<1000xf32>
    %reduce_sum3A_37 = vector.multi_reduction <add>, %mul3A, %reduce_sum3A_36 [1] : vector<1000x256xf32> to vector<1000xf32>
    %broadcast_in_dim3A_38 = vector.shape_cast %reduce_sum3A_37 : vector<1000xf32> to vector<1000x1xf32>
    %div3A_39 = arith.constant 2.560000e+02 : f32
    %div3A_40 = vector.broadcast %div3A_39 : f32 to vector<1000x1xf32>
    %div3A_41 = arith.divf %broadcast_in_dim3A_38, %div3A_40 : vector<1000x1xf32>
    %add3A_42 = arith.constant 9.99999974E-6 : f32
    %add3A_43 = vector.broadcast %add3A_42 : f32 to vector<1000x1xf32>
    %add3A_44 = arith.addf %div3A_41, %add3A_43 : vector<1000x1xf32>
    %rsqrt3A = math.rsqrt %add3A_44 : vector<1000x1xf32>
    %mul3A_45 = vector.broadcast %rsqrt3A : vector<1000x1xf32> to vector<1000x256xf32>
    %mul3A_46 = arith.mulf %sub3A_35, %mul3A_45 : vector<1000x256xf32>
    %get3A_47 = arith.constant 0 : index
    %get3A_48 = arith.constant 0 : index
    %get3A_49 = vector.load %arg8[%get3A_47, %get3A_48] : memref<1x256xf32, #tpu.memory_space<vmem>>, vector<1x256xf32>
    %mul3A_50 = vector.broadcast %get3A_49 : vector<1x256xf32> to vector<1000x256xf32>
    %mul3A_51 = arith.mulf %mul3A_46, %mul3A_50 : vector<1000x256xf32>
    %get3A_52 = arith.constant 0 : index
    %get3A_53 = arith.constant 0 : index
    %get3A_54 = vector.load %arg9[%get3A_52, %get3A_53] : memref<1x256xf32, #tpu.memory_space<vmem>>, vector<1x256xf32>
    %add3A_55 = vector.broadcast %get3A_54 : vector<1x256xf32> to vector<1000x256xf32>
    %add3A_56 = arith.addf %mul3A_51, %add3A_55 : vector<1000x256xf32>
    %swap3A = arith.constant 0 : index
    %swap3A_57 = arith.constant 0 : index
    %swap3A_58 = vector.load %arg10[%swap3A, %swap3A_57] : memref<1000x256xf32, #tpu.memory_space<vmem>>, vector<1000x256xf32>
    tpu.vector_store %arg10[%swap3A, %swap3A_57], %add3A_56 {strides = array<i32>} : memref<1000x256xf32, #tpu.memory_space<vmem>>, vector<1000x256xf32>,
    return
  }
  func.func @transform_0(%arg0: i32) -> (i32, i32) {
    %c0_i32 = arith.constant 0 : i32
    %c0_i32_0 = arith.constant 0 : i32
    return %arg0, %c0_i32 : i32, i32
  }
  func.func @transform_1(%arg0: i32) -> (i32, i32) {
    %c0_i32 = arith.constant 0 : i32
    %c0_i32_0 = arith.constant 0 : i32
    return %arg0, %c0_i32 : i32, i32
  }
  func.func @transform_2(%arg0: i32) -> (i32, i32) {
    %c0_i32 = arith.constant 0 : i32
    %c0_i32_0 = arith.constant 0 : i32
    %c0_i32_1 = arith.constant 0 : i32
    return %c0_i32, %c0_i32_0 : i32, i32
  }
  func.func @transform_3(%arg0: i32) -> (i32, i32) {
    %c0_i32 = arith.constant 0 : i32
    %c0_i32_0 = arith.constant 0 : i32
    %c0_i32_1 = arith.constant 0 : i32
    return %c0_i32, %c0_i32_0 : i32, i32
  }
  func.func @transform_4(%arg0: i32) -> (i32, i32) {
    %c0_i32 = arith.constant 0 : i32
    %c0_i32_0 = arith.constant 0 : i32
    %c0_i32_1 = arith.constant 0 : i32
    return %c0_i32, %c0_i32_0 : i32, i32
  }
  func.func @transform_5(%arg0: i32) -> (i32, i32) {
    %c0_i32 = arith.constant 0 : i32
    %c0_i32_0 = arith.constant 0 : i32
    %c0_i32_1 = arith.constant 0 : i32
    return %c0_i32, %c0_i32_0 : i32, i32
  }
  func.func @transform_6(%arg0: i32) -> (i32, i32) {
    %c0_i32 = arith.constant 0 : i32
    %c0_i32_0 = arith.constant 0 : i32
    %c0_i32_1 = arith.constant 0 : i32
    return %c0_i32, %c0_i32_0 : i32, i32
  }
  func.func @transform_7(%arg0: i32) -> (i32, i32) {
    %c0_i32 = arith.constant 0 : i32
    %c0_i32_0 = arith.constant 0 : i32
    %c0_i32_1 = arith.constant 0 : i32
    return %c0_i32, %c0_i32_0 : i32, i32
  }
  func.func @transform_8(%arg0: i32) -> (i32, i32) {
    %c0_i32 = arith.constant 0 : i32
    %c0_i32_0 = arith.constant 0 : i32
    %c0_i32_1 = arith.constant 0 : i32
    return %c0_i32, %c0_i32_0 : i32, i32
  }
  func.func @transform_9(%arg0: i32) -> (i32, i32) {
    %c0_i32 = arith.constant 0 : i32
    %c0_i32_0 = arith.constant 0 : i32
    return %arg0, %c0_i32 : i32, i32
  }
}

</mosaic_0001>

<sc_bundles>
// kernel: kernel.10.cloned.1.call-start
scs
__scs_entry_jumppad:
0x0: {  	(pc) =	sbr.rel $0x88, $3  }
0x1: {  	(tag) =	ssettag $0x0;
	lr =	simm.s32 $0x1  }
0x2: {  	[smem:$0x3F94] =	sst lr;
	_ =	strace $0xD0000000  }
0x3: {  	_ = 	snop  }
0x4: {  	_ = 	snop  }
0x5: {  	_ = 	snop  }
0x6: {  	_ = 	snop  }
0x7: {  	_ = 	snop  }
__scs_overlays_trampoline_lowered:
0x8: {  	[smem:$0x3FA3] =	sst s0  }
0x9: {  	[smem:$0x3FA4] =	sst s1  }
0xa: {  	[smem:$0x3FA5] =	sst s2  }
0xb: {  	[smem:$0x3FA6] =	sst s3  }
0xc: {  	[smem:$0x3FA7] =	sst s4  }
0xd: {  	[smem:$0x3FA8] =	sst s5  }
0xe: {  	[smem:$0x3FA9] =	sst s6  }
0xf: {  	[smem:$0x3FAA] =	sst s7  }
0x10: {  	[smem:$0x3FAB] =	sst s8  }
0x11: {  	[smem:$0x3FAC] =	sst s9;
	s0 =	simm.s32 @!p0 $0x0  }
0x12: {  	s1 =	sld [smem:$0x3F92];
	s0 =	simm.s32 @p0 $0x1  }
0x13: {  	[smem:$0x3FAD] =	sst s0;
	s0 =	simm.s32 @!p1 $0x0  }
0x14: {  	s2 =	sld [smem:$0x3F91];
	s0 =	simm.s32 @p1 $0x1  }
0x15: {  	[smem:$0x3FAE] =	sst s0;
	s0 =	simm.s32 @!p2 $0x0  }
0x16: {  	s3 =	sld [smem:$0x3FDB];
	s0 =	simm.s32 @p2 $0x1  }
0x17: {  	s4 =	simm.s32 $0x1BF5;
	[smem:$0x3FB0] =	sst s0  }
0x18: {  	s0 =	sld [smem:$0x3F93];
	_ =	swait.ge [sflag:s4], $0x0  }
0x19: {  	s7 =	sld [smem:$0x3F94]  }
0x1a: {  	s8 =	sadd.s32 $0xFFFFE003, lr  }
0x1b: {  	s9 =	sadd.s32 $0xFFFFFEF7, lr;
	s5 =	simm.s32 $0xFFFFFFFF;
	p2 =	slt.u32 s8, $0xFFFFF086  }
0x1c: {  	p1 =	slt.u32 s9, $0xF7A;
	s5 =	simm.s32 @!p2 $0x0  }
0x1d: {  	s5 =	simm.s32 @p1 $0x1;
	p0 =	seq.s32 s7, s2  }
0x1e: {  	s7 =	smul.u32 @!p0 $0xF7A, s2;
	p2 =	seq.s32 @!p0 s5, $0x0  }
0x1f: {  	s9 =	smul.u32 $0xF7A, s1;
	s8 =	simm.s32 @!p0 $0x1BF5;
	p2 =	por !p2, p0  }
0x20: {  	[sflag:s8] =	ssyncset.s32 @!p0 $0xFFFFF086;
	s6 =	sadd.s32 @!p0 s3, s7;
	s7 =	simm.s32 @!p0 $0x108  }
0x21: {  	s3 =	sadd.s32 s3, s9;
	s6 =	sadd.s32 @!p0 $0x88, s6;
	s7 =	simm.s32 @p2 $0x1082  }
0x22: {  	[simem:s7], [sflag:s8] =	dma.local @!p0 [hbm:s6], $0xF7A  }
0x23: {  	s9 =	sor.u32 $0xD0000000, s2;
	s6 =	simm.s32 $0x108;
	_ =	swait.ge @!p0 [sflag:s8], $0x0  }
0x24: {  	s3 =	sadd.s32 $0x88, s3;
	s6 =	simm.s32 @!p1 $0x1082;
	[sflag:s4] =	ssyncset.s32 $0xFFFFF086  }
0x25: {  	[simem:s6], [sflag:s4] =	dma.local [hbm:s3], $0xF7A  }
0x26: {  	[smem:$0x3F94] =	sst s1;
	(tag) =	ssettag s2;
	_ =	strace s9  }
0x27: {  	s1 =	sld [smem:$0x3FA4]  }
0x28: {  	s2 =	sld [smem:$0x3FA5]  }
0x29: {  	s4 =	sld [smem:$0x3FA7]  }
0x2a: {  	p0 =	seq.s32 s5, $0x0;
	s5 =	sld [smem:$0x3FA8]  }
0x2b: {  	s6 =	sld [smem:$0x3FA9]  }
0x2c: {  	s7 =	sld [smem:$0x3FAA]  }
0x2d: {  	s3 =	simm.s32 $0x108;
	s8 =	sld [smem:$0x3FAB]  }
0x2e: {  	s3 =	simm.s32 @!p0 $0x1082;
	s9 =	sld [smem:$0x3FAC]  }
0x2f: {  	lr =	sadd.s32 s0, s3;
	s0 =	sld [smem:$0x3FA3]  }
0x30: {  	s3 =	sld [smem:$0x3FA6]  }
0x31: {  	[smem:$0x3FAF] =	sst s10  }
0x32: {  	s10 =	sld [smem:$0x3FAD];
	_ =	sdelay $0x3  }
0x33: {  	p0 =	seq.s32 s10, $0x1;
	s10 =	sld [smem:$0x3FAF];
	_ =	sdelay $0x3  }
0x34: {  	[smem:$0x3FAF] =	sst s10  }
0x35: {  	s10 =	sld [smem:$0x3FAE];
	_ =	sdelay $0x3  }
0x36: {  	p1 =	seq.s32 s10, $0x1;
	s10 =	sld [smem:$0x3FAF];
	_ =	sdelay $0x3  }
0x37: {  	[smem:$0x3FAF] =	sst s10  }
0x38: {  	s10 =	sld [smem:$0x3FB0]  }
0x39: {  	_ = 	snop;
	(pc) =	sbr.ind lr, $3  }
0x3a: {  	_ = 	snop  }
0x3b: {  	_ = 	snop  }
0x3c: {  	p2 =	seq.s32 s10, $0x1;
	s10 =	sld [smem:$0x3FAF]  }
0x3d: {  	_ =	shalt  }
0x3e: {  	_ =	shalt  }
0x3f: {  	_ =	shalt  }
0x40: {  	_ =	shalt  }
0x41: {  	_ =	shalt  }
0x42: {  	_ =	shalt  }
0x43: {  	_ =	shalt  }
0x44: {  	_ =	shalt  }
0x45: {  	_ =	shalt  }
0x46: {  	_ =	shalt  }
0x47: {  	_ =	shalt  }
0x48: {  	_ =	shalt  }
0x49: {  	_ =	shalt  }
0x4a: {  	_ =	shalt  }
0x4b: {  	_ =	shalt  }
0x4c: {  	_ =	shalt  }
0x4d: {  	_ =	shalt  }
0x4e: {  	_ =	shalt  }
0x4f: {  	_ =	shalt  }
0x50: {  	_ =	shalt  }
0x51: {  	_ =	shalt  }
0x52: {  	_ =	shalt  }
0x53: {  	_ =	shalt  }
0x54: {  	_ =	shalt  }
0x55: {  	_ =	shalt  }
0x56: {  	_ =	shalt  }
0x57: {  	_ =	shalt  }
0x58: {  	_ =	shalt  }
0x59: {  	_ =	shalt  }
0x5a: {  	_ =	shalt  }
0x5b: {  	_ =	shalt  }
0x5c: {  	_ =	shalt  }
0x5d: {  	_ =	shalt  }
0x5e: {  	_ =	shalt  }
0x5f: {  	_ =	shalt  }
0x60: {  	_ =	shalt  }
0x61: {  	_ =	shalt  }
0x62: {  	_ =	shalt  }
0x63: {  	_ =	shalt  }
0x64: {  	_ =	shalt  }
0x65: {  	_ =	shalt  }
0x66: {  	_ =	shalt  }
0x67: {  	_ =	shalt  }
0x68: {  	_ =	shalt  }
0x69: {  	_ =	shalt  }
0x6a: {  	_ =	shalt  }
0x6b: {  	_ =	shalt  }
0x6c: {  	_ =	shalt  }
0x6d: {  	_ =	shalt  }
0x6e: {  	_ =	shalt  }
0x6f: {  	_ =	shalt  }
0x70: {  	_ =	shalt  }
0x71: {  	_ =	shalt  }
0x72: {  	_ =	shalt  }
0x73: {  	_ =	shalt  }
0x74: {  	_ =	shalt  }
0x75: {  	_ =	shalt  }
0x76: {  	_ =	shalt  }
0x77: {  	_ =	shalt  }
0x78: {  	_ =	shalt  }
0x79: {  	_ =	shalt  }
0x7a: {  	_ =	shalt  }
0x7b: {  	_ =	shalt  }
0x7c: {  	_ =	shalt  }
0x7d: {  	_ =	shalt  }
0x7e: {  	_ =	shalt  }
0x7f: {  	_ =	shalt  }
0x80: {  	_ =	shalt  }
0x81: {  	_ =	shalt  }
0x82: {  	_ =	shalt  }
0x83: {  	_ =	shalt  }
0x84: {  	_ =	shalt  }
0x85: {  	_ =	shalt  }
0x86: {  	_ =	shalt  }
0x87: {  	_ =	shalt  }
.Lfunc_end0:
.L_simem_size_0:
called_computation.1_lowered:
.L_overlay_start_0:
0x88: {  	s2 =	sld [smem:$0x3FD9]  }
0x89: {  	s3 =	sld [smem:$0x3FFE];
	_ =	sdelay $0x1  }
0x8a: {  	s1 =	srdreg.scid  }
0x8b: {  	s0 =	sand.u32 $0x1, s1  }
0x8c: {  	s17 =	sshll.u32 s0, $0xA;
	s2 =	sadd.s32 s3, s2  }
0x8d: {  	s2 =	sadd.s32 s2, s17  }
0x8e: {  	[smem:$0x3FBB] =	sst s2  }
0x8f: {  	_ = 	snop  }
0x90: {  	s2 =	sld [smem:$0x3FD0];
	(tm) =	ssettm $0x1  }
0x91: {  	s18 =	sld [smem:$0x3FFB];
	_ =	sdelay $0x3  }
0x92: {  	_ =	strace s18  }
0x93: {  	s3 =	sld [smem:$0x3FFC];
	_ =	sdelay $0x3  }
0x94: {  	_ =	strace s3  }
0x95: {  	s3 =	sld [smem:$0x3FFD];
	_ =	sdelay $0x3  }
0x96: {  	_ =	strace s3  }
0x97: {  	_ =	strace $0x8FFFFFFF  }
0x98: {  	s19 =	sld [smem:$0x3FDB];
	_ =	sdelay $0x1  }
0x99: {  	s4 =	simm.s32 $_scs_section_size  }
0x9a: {  	s5 =	simm.s32 $_size__tile_overlayer_lowered;
	s6 =	simm.s32 $_tile_overlayer_lowered  }
0x9b: {  	s22 =	simm.s32 $0x1BFF;
	s21 =	sshll.u32 s6, $0x1;
	s3 =	sadd.s32 s4, s19  }
0x9c: {  	s7 =	simm.s32 $0x0;
	s20 =	sshll.u32 s5, $0x1;
	s5 =	sadd.s32 s21, s3  }
0x9d: {  	[timem:s7], [sflag:s22] =	dma.local [hbm:s5], s20  }
0x9e: {  	_ =	swait.ge [sflag:s22], s20  }
0x9f: {  	s4 =	ssub.s32 $0x0, s20;
	[sflag:s22] =	ssyncset.done $0x0  }
0xa0: {  	[sflag:s22] =	ssyncadd.s32 s4;
	_ =	sdelay $0x1  }
0xa1: {  	s23 =	simm.s32 $0x1B8B  }
0xa2: {  	_ =	swait.ge [sflag:s23], $0x1  }
0xa3: {  	[sflag:s23] =	ssyncset.done $0x0  }
0xa4: {  	s25 =	simm.s32 $0x1B8E;
	s24 =	sld [smem:$0x3FFE];
	[sflag:s23] =	ssyncadd.s32 $0xFFFFFFFF  }
0xa5: {  	s26 =	simm.s32 $execute0_lowered;
	[smem:$0x3FD2] =	sst s25  }
0xa6: {  	s5 =	sshll.u32 s26, $0x1;
	_ =	strace $0x80000049;
	[dreg:$0x1] =	wrdreg $0xFFFFFFFF  }
0xa7: {  	s28 =	simm.s32 $_size_execute0_lowered;
	s3 =	sadd.s32 s3, s5;
	[dreg:$0x0] =	wrdreg $0x0  }
0xa8: {  	s5 =	sshll.u32 s28, $0x1;
	[dreg:$0x2] =	wrdreg s3  }
0xa9: {  	[dreg:$0x3] =	wrdreg s5  }
0xaa: {  	[dreg:$0x4] =	wrdreg $0xC0  }
0xab: {  	_ =	task [dreg:s7], $0x5FFFF  }
0xac: {  	[dreg:$0x1] =	wrdreg $0xFFFFFFFF  }
0xad: {  	[dreg:$0x0] =	wrdreg $0x60  }
0xae: {  	[dreg:$0x2] =	wrdreg s24  }
0xaf: {  	[dreg:$0x3] =	wrdreg s2  }
0xb0: {  	[dreg:$0x4] =	wrdreg $0x0  }
0xb1: {  	[dreg:$0x5] =	wrdreg $0x9  }
0xb2: {  	_ =	task.clear_ibuf [dreg:s7], $0x6FFFF;
	_ =	strace $0x90000049  }
0xb3: {  	s29 =	simm.s32 $0x9;
	_ =	strace $0x8000004B  }
0xb4: {  	_ =	swait.ge [sflag:s29], $0x1  }
0xb5: {  	[sflag:s29] =	ssyncadd.s32 $0xFFFFFFFF  }
0xb6: {  	_ =	strace $0x9000004B  }
0xb7: {  	_ =	sfence  }
0xb8: {  	s30 =	sld [smem:$0x0];
	_ =	sdelay $0x2  }
0xb9: {  	s31 =	sshll.u32 s1, $0xD;
	s1 =	sshrl.u32 s1, $0x2  }
0xba: {  	s3 =	sand.u32 $0x4000, s31;
	s1 =	sadd.s32 s1, s30  }
0xbb: {  	s0 =	sor.u32 s3, s0;
	s1 =	sshll.u32 s1, $0x11  }
0xbc: {  	s0 =	sor.u32 s1, s0  }
0xbd: {  	s0 =	sadd.s32 $0x8F2B, s0  }
0xbe: {  	[sflag:s0] =	ssyncadd.remote.s32 $0x1  }
0xbf: {  	_ =	sfence.sel $0xFFFF  }
0xc0: {  	[dreg:$0x0] =	wrdreg $0xFFFFFFFF;
	(pc) =	sbr.abs _section_cstart, $3  }
0xc1: {  	[dreg:$0x1] =	wrdreg $0xFFFFFFFF  }
0xc2: {  	_ =	task.clear_ibuf [dreg:s7], $0x2FFFF;
	_ =	strace $0x9FFFFFFF  }
0xc3: {  	(tm) =	ssettm $0x7FFFFFFF  }
tec
execute0_lowered:
.L_overlay_start_1:
0x0: {  	(tag) =	ssettag $0x1  }
0x1: {  	s0 =	rddreg [dreg:$0x0]  }
0x2: {  	s8 =	rddreg [dreg:$0x1]  }
0x3: {  	s1 =	rddreg [dreg:$0x2];
	s2 =	simm.s32 $0x0;
	s3 =	srdreg.scid  }
0x4: {  	s14 =	stileid.u32;
	s17 =	simm.s32 $0x138C0;
	s18 =	simm.s32 $0x400  }
0x5: {  	s19 =	simm.s32 $0x800;
	s20 =	simm.s32 $0x160C0;
	s21 =	simm.s32 $0x80  }
0x6: {  	s22 =	simm.s32 $0x1A0C0;
	s28 =	simm.s32 $0x0;
	s4 =	smul.u32 $0x500, s14  }
0x7: {  	[smem:$0x7FF] =	sst s2;
	s7 =	sand.u32 $0x1, s3;
	s9 =	smul.u32 $0x4E000, s14  }
0x8: {  	s3 =	sadd.s32 $0xA5F800, s0;
	s25 =	sshll.u32 s14, $0x6;
	s26 =	smul.u32 $0x27000, s14  }
0x9: {  	s16 =	sadd.s32 $0x138000, s1;
	s12 =	smul.u32 $0x280000, s14;
	p0 =	sne.s32 s14, $0x0  }
0xa: {  	_ =	strace $0x8000004A;
	s5 =	ssub.s32 $0x2, s7;
	s11 =	sshll.u32 s7, $0xA  }
0xb: {  	s29 =	sshll.u32 s7, $0x7;
	s16 =	sshrl.u32 @!p0 s16, $0x3;
	s6 =	sshrl.u32 s5, $0x1  }
0xc: {  	s10 =	sadd.s32 s4, s0;
	s4 =	sadd.s32 $0x2600, s0;
	s24 =	sshrl.u32 s9, $0x2  }
0xd: {  	s9 =	sor.u32 s11, s26;
	s13 =	sor.u32 s11, s12;
	s26 =	simm.s32 $0x100  }
0xe: {  	s23 =	ssub.s32 s5, s6;
	s15 =	sadd.s32 s24, s1;
	s5 =	sor.u32 $0x1C02, s25  }
0xf: {  	s6 =	sadd.s32 $0x7600, s10;
	s9 =	sshrl.u32 s9, $0x3;
	s30 =	sshrl.u32 s13, $0x3  }
0x10: {  	s11 =	sor.u32 $0x18000, s13;
	s13 =	sor.u32 $0x10000, s13;
	s24 =	simm.s32 $0x1  }
0x11: {  	s25 =	simm.s32 $0x8;
	s7 =	sadd.s32 s8, s9;
	s8 =	sadd.s32 s29, s8  }
0x12: {  	s9 =	smax.u32 s23, $0x1;
	s10 =	sadd.s32 s3, s30;
	s31 =	sshrl.u32 s11, $0x3  }
0x13: {  	s14 =	sshrl.u32 s15, $0x3;
	s15 =	simm.s32 $0x2;
	s23 =	simm.s32 $0x13940  }
0x14: {  	s8 =	sadd.s32 $0x4E000, s8;
	s11 =	sadd.s32 $0x1000, s10;
	s12 =	sadd.s32 s31, s3  }
.LBB2_1:
0x15: {  	[spmem:s14], [sflag:s5] =	dma.local [hbm:s4], $0x2700  }
0x16: {  	_ =	swait.ge [sflag:s15], $0x2700  }
0x17: {  	[sflag:s15] =	ssyncset.done $0x0  }
0x18: {  	s0 =	simm.s32 @!p0 $0x2;
	[sflag:s15] =	ssyncadd.s32 $0xFFFFD900  }
0x19: {  	[spmem:s16], [sflag:s5] =	dma.local @!p0 [hbm:s4], $0x180  }
0x1a: {  	_ =	swait.ge @!p0 [sflag:s0], $0x180  }
0x1b: {  	[sflag:s0] =	ssyncset.done @!p0 $0x0  }
0x1c: {  	s2 =	simm.s32 $0x0;
	[sflag:s0] =	ssyncadd.s32 @!p0 $0xFFFFFE80  }
0x1d: {  	[tilespmem:s17], [sflag:$0x2] =	stream.linear.gather [hbm4b:s6+s2], $0x2800, $0x38;
	[tilespmem:$0x1E0C0] =	vst v63  }
0x1e: {  	_ =	swait.ge [sflag:s15], $0x2800  }
0x1f: {  	[sflag:s15] =	ssyncset.done $0x0  }
0x20: {  	[sflag:s15] =	ssyncadd.s32 $0xFFFFD800  }
0x21: {  	[bflag:$0x0] =	sbarrier.arrive $0xFFFF  }
0x22: {  	[tilespmem:s20], [sflag:$0x2] =	stream.strided.gather [hbm4b:s10+s18], $0x4000, s19, s18, $0x38;
	[tilespmem:$0x1E0C0] =	vst v63  }
0x23: {  	_ =	swait.ge [sflag:s15], $0x4000  }
0x24: {  	[sflag:s15] =	ssyncset.done $0x0  }
0x25: {  	[sflag:s15] =	ssyncadd.s32 $0xFFFFC000  }
0x26: {  	[spmem:s1] =	stream.indirect.scatter.add.f32 [tilespmem:s20], [sflag:$0x1], $0x80, s17, s21, $0xb8;
	[tilespmem:$0x1E0C0] =	vst v63  }
0x27: {  	_ = 	snop  }
0x28: {  	[tilespmem:s22], [sflag:$0x2] =	stream.strided.gather [hbm4b:s11+s18], $0x4000, s19, s18, $0x38;
	[tilespmem:$0x1E0C0] =	vst v63  }
0x29: {  	_ =	swait.ge [sflag:s15], $0x4000  }
0x2a: {  	[sflag:s15] =	ssyncset.done $0x0  }
0x2b: {  	[sflag:s15] =	ssyncadd.s32 $0xFFFFC000  }
0x2c: {  	[spmem:s1] =	stream.indirect.scatter.add.f32 [tilespmem:s22], [sflag:$0x1], $0x80, s23, s21, $0xb8;
	[tilespmem:$0x1E0C0] =	vst v63  }
0x2d: {  	_ =	swait.ge [sflag:s24], $0x4000  }
0x2e: {  	[sflag:s24] =	ssyncset.done $0x0  }
0x2f: {  	[sflag:s24] =	ssyncadd.s32 $0xFFFFC000  }
0x30: {  	_ =	swait.ge [sflag:s24], $0x4000  }
0x31: {  	s2 =	sshrl.u32 s13, $0x3;
	[sflag:s24] =	ssyncset.done $0x0  }
0x32: {  	s0 =	sadd.s32 s3, s2;
	[sflag:s24] =	ssyncadd.s32 $0xFFFFC000  }
0x33: {  	[tilespmem:s20], [sflag:$0x2] =	stream.strided.gather [hbm4b:s0+s18], $0x4000, s19, s18, $0x38;
	[tilespmem:$0x1E0C0] =	vst v63  }
0x34: {  	_ =	swait.ge [sflag:s15], $0x4000  }
0x35: {  	[sflag:s15] =	ssyncset.done $0x0  }
0x36: {  	s2 =	simm.s32 $0x139C0;
	[sflag:s15] =	ssyncadd.s32 $0xFFFFC000  }
0x37: {  	[spmem:s1] =	stream.indirect.scatter.add.f32 [tilespmem:s20], [sflag:$0x1], $0x80, s2, s21, $0xb8;
	[tilespmem:$0x1E0C0] =	vst v63  }
0x38: {  	s2 =	sadd.s32 $0x0, s12  }
0x39: {  	[tilespmem:s22], [sflag:$0x2] =	stream.strided.gather [hbm4b:s2+s18], $0x4000, s19, s18, $0x38;
	[tilespmem:$0x1E0C0] =	vst v63  }
0x3a: {  	_ =	swait.ge [sflag:s15], $0x4000  }
0x3b: {  	s29 =	simm.s32 $0x2000;
	s30 =	sadd.s32 $0x10000, s13;
	[sflag:s15] =	ssyncset.done $0x0  }
0x3c: {  	s31 =	simm.s32 $0x13AC0;
	s0 =	simm.s32 $0x13A40;
	[sflag:s15] =	ssyncadd.s32 $0xFFFFC000  }
.LBB2_2:
0x3d: {  	[spmem:s1] =	stream.indirect.scatter.add.f32 [tilespmem:s22], [sflag:$0x1], $0x80, s0, s21, $0xb8;
	[tilespmem:$0x1E0C0] =	vst v63  }
0x3e: {  	s0 =	smov.u32 s29  }
0x3f: {  	p1 =	sne.s32 s29, $0x4C000;
	s29 =	sadd.s32 $0x2000, s29;
	_ =	swait.ge [sflag:s24], $0x4000  }
0x40: {  	[sflag:s24] =	ssyncset.done $0x0  }
0x41: {  	[sflag:s24] =	ssyncadd.s32 $0xFFFFC000  }
0x42: {  	_ =	swait.ge [sflag:s24], $0x4000  }
0x43: {  	s2 =	sshrl.u32 s30, $0x3;
	[sflag:s24] =	ssyncset.done $0x0  }
0x44: {  	s2 =	sadd.s32 s3, s2;
	[sflag:s24] =	ssyncadd.s32 $0xFFFFC000  }
0x45: {  	[tilespmem:s20], [sflag:$0x2] =	stream.strided.gather [hbm4b:s2+s18], $0x4000, s19, s18, $0x38;
	[tilespmem:$0x1E0C0] =	vst v63  }
0x46: {  	_ =	swait.ge [sflag:s15], $0x4000  }
0x47: {  	[sflag:s15] =	ssyncset.done $0x0  }
0x48: {  	[sflag:s15] =	ssyncadd.s32 $0xFFFFC000  }
0x49: {  	[spmem:s1] =	stream.indirect.scatter.add.f32 [tilespmem:s20], [sflag:$0x1], $0x80, s31, s21, $0xb8;
	[tilespmem:$0x1E0C0] =	vst v63  }
.Ltmp0:
0x4a: {  	s0 =	sadd.s32 s0, s12;
	(pc) =	sbr.rel @p1 .LBB2_2-.Ltmp0, $4  }
0x4b: {  	[tilespmem:s22], [sflag:$0x2] =	stream.strided.gather [hbm4b:s0+s18], $0x4000, s19, s18, $0x38;
	[tilespmem:$0x1E0C0] =	vst v63  }
0x4c: {  	_ =	swait.ge [sflag:s15], $0x4000  }
0x4d: {  	s30 =	sadd.s32 $0x10000, s30;
	[sflag:s15] =	ssyncset.done $0x0  }
0x4e: {  	s0 =	sadd.s32 $0x80, s31;
	s31 =	sadd.s32 $0x100, s31;
	[sflag:s15] =	ssyncadd.s32 $0xFFFFC000  }
0x4f: {  	[spmem:s1] =	stream.indirect.scatter.add.f32 [tilespmem:s22], [sflag:$0x1], $0x80, s0, s21, $0xb8;
	[tilespmem:$0x1E0C0] =	vst v63  }
0x50: {  	_ =	swait.ge [sflag:s24], $0x4000  }
0x51: {  	[sflag:s24] =	ssyncset.done $0x0  }
0x52: {  	[sflag:s24] =	ssyncadd.s32 $0xFFFFC000  }
0x53: {  	_ =	swait.ge [sflag:s24], $0x4000  }
0x54: {  	[sflag:s24] =	ssyncset.done $0x0  }
0x55: {  	[sflag:s24] =	ssyncadd.s32 $0xFFFFC000  }
0x56: {  	[bflag:$0x0] =	sbarrier.arrive $0xFFFF  }
0x57: {  	[hbm:s7@s26], [sflag:s5] =	dma.strided [spmem:s14@s21], $0x2700, s25, $0x10   }
0x58: {  	s0 =	simm.s32 @!p0 $0x8;
	_ =	swait.ge [sflag:s15], $0x2700  }
0x59: {  	s2 =	simm.s32 @!p0 $0x100;
	s28 =	sadd.s32 $0x1, s28;
	[sflag:s15] =	ssyncset.done $0x0  }
0x5a: {  	s29 =	simm.s32 @!p0 $0x80;
	p1 =	sne.s32 s28, s9;
	[sflag:s15] =	ssyncadd.s32 $0xFFFFD900  }
0x5b: {  	[hbm:s8@s2], [sflag:s5] =	dma.strided @!p0 [spmem:s16@s29], $0x100, s0, $0x10   }
.Ltmp1:
0x5c: {  	_ = 	snop;
	(pc) =	sbr.rel @p1 .LBB2_1-.Ltmp1, $4  }
0x5d: {  	s0 =	simm.s32 @!p0 $0x2  }
0x5e: {  	_ =	swait.ge @!p0 [sflag:s0], $0x100  }
0x5f: {  	[sflag:s0] =	ssyncset.done @!p0 $0x0  }
0x60: {  	[sflag:s0] =	ssyncadd.s32 @!p0 $0xFFFFFF00  }
0x61: {  	_ =	sfence.sel $0x180000  }
0x62: {  	[bflag:$0x0] =	sbarrier.arrive $0xFFFF  }
0x63: {  	_ =	strace $0x9000004A  }
0x64: {  	[bflag:$0x2] =	sbarrier.arrive $0xFFFF  }
0x65: {  	s0 =	rddreg [dreg:$0x3]  }
0x66: {  	s0 =	sadd.s32 @!p0 $0x100000, s0  }
0x67: {  	[sflag:s0] =	ssyncadd.tile.s32 @!p0 $0x1;
	_ =	shalt  }
.Lfunc_end2:
_tile_overlayer_lowered:
.L_overlay_start_2:
0x68: {  	(tag) =	ssettag $0x2  }
0x69: {  	s0 =	rddreg [dreg:$0x0];
	s2 =	stileid.u32  }
0x6a: {  	s1 =	rddreg [dreg:$0x1];
	p0 =	sne.s32 s2, $0x0  }
0x6b: {  	s3 =	rddreg [dreg:$0x2];
	[bflag:$0x3] =	sbarrier.arrive $0xFFFF;
	s2 =	simm.s32 @!p0 $0x1C02  }
0x6c: {  	[timem:s3], [sflag:s2] =	dma.local @!p0 [hbm:s0], s1  }
0x6d: {  	s0 =	simm.s32 @!p0 $0x2  }
0x6e: {  	_ =	swait.ge @!p0 [sflag:s0], s1  }
0x6f: {  	s1 =	ssub.s32 @!p0 $0x0, s1;
	[sflag:s0] =	ssyncset.done @!p0 $0x0  }
0x70: {  	[sflag:s0] =	ssyncadd.s32 @!p0 s1  }
0x71: {  	[bflag:$0x3] =	sbarrier.arrive $0xFFFF  }
0x72: {  	_ =	shalt  }

// kernel: kernel.7.cloned.1.call-start
scs
__scs_entry_jumppad:
0x0: {  	(pc) =	sbr.rel $0x88, $3  }
0x1: {  	(tag) =	ssettag $0x0;
	lr =	simm.s32 $0x1  }
0x2: {  	[smem:$0x3F94] =	sst lr;
	_ =	strace $0xD0000000  }
0x3: {  	_ = 	snop  }
0x4: {  	_ = 	snop  }
0x5: {  	_ = 	snop  }
0x6: {  	_ = 	snop  }
0x7: {  	_ = 	snop  }
__scs_overlays_trampoline_lowered:
0x8: {  	[smem:$0x3FA3] =	sst s0  }
0x9: {  	[smem:$0x3FA4] =	sst s1  }
0xa: {  	[smem:$0x3FA5] =	sst s2  }
0xb: {  	[smem:$0x3FA6] =	sst s3  }
0xc: {  	[smem:$0x3FA7] =	sst s4  }
0xd: {  	[smem:$0x3FA8] =	sst s5  }
0xe: {  	[smem:$0x3FA9] =	sst s6  }
0xf: {  	[smem:$0x3FAA] =	sst s7  }
0x10: {  	[smem:$0x3FAB] =	sst s8  }
0x11: {  	[smem:$0x3FAC] =	sst s9;
	s0 =	simm.s32 @!p0 $0x0  }
0x12: {  	s1 =	sld [smem:$0x3F92];
	s0 =	simm.s32 @p0 $0x1  }
0x13: {  	[smem:$0x3FAD] =	sst s0;
	s0 =	simm.s32 @!p1 $0x0  }
0x14: {  	s2 =	sld [smem:$0x3F91];
	s0 =	simm.s32 @p1 $0x1  }
0x15: {  	[smem:$0x3FAE] =	sst s0;
	s0 =	simm.s32 @!p2 $0x0  }
0x16: {  	s3 =	sld [smem:$0x3FDB];
	s0 =	simm.s32 @p2 $0x1  }
0x17: {  	s4 =	simm.s32 $0x1BF5;
	[smem:$0x3FB0] =	sst s0  }
0x18: {  	s0 =	sld [smem:$0x3F93];
	_ =	swait.ge [sflag:s4], $0x0  }
0x19: {  	s7 =	sld [smem:$0x3F94]  }
0x1a: {  	s8 =	sadd.s32 $0xFFFFE003, lr  }
0x1b: {  	s9 =	sadd.s32 $0xFFFFFEF7, lr;
	s5 =	simm.s32 $0xFFFFFFFF;
	p2 =	slt.u32 s8, $0xFFFFF086  }
0x1c: {  	p1 =	slt.u32 s9, $0xF7A;
	s5 =	simm.s32 @!p2 $0x0  }
0x1d: {  	s5 =	simm.s32 @p1 $0x1;
	p0 =	seq.s32 s7, s2  }
0x1e: {  	s7 =	smul.u32 @!p0 $0xF7A, s2;
	p2 =	seq.s32 @!p0 s5, $0x0  }
0x1f: {  	s9 =	smul.u32 $0xF7A, s1;
	s8 =	simm.s32 @!p0 $0x1BF5;
	p2 =	por !p2, p0  }
0x20: {  	[sflag:s8] =	ssyncset.s32 @!p0 $0xFFFFF086;
	s6 =	sadd.s32 @!p0 s3, s7;
	s7 =	simm.s32 @!p0 $0x108  }
0x21: {  	s3 =	sadd.s32 s3, s9;
	s6 =	sadd.s32 @!p0 $0x88, s6;
	s7 =	simm.s32 @p2 $0x1082  }
0x22: {  	[simem:s7], [sflag:s8] =	dma.local @!p0 [hbm:s6], $0xF7A  }
0x23: {  	s9 =	sor.u32 $0xD0000000, s2;
	s6 =	simm.s32 $0x108;
	_ =	swait.ge @!p0 [sflag:s8], $0x0  }
0x24: {  	s3 =	sadd.s32 $0x88, s3;
	s6 =	simm.s32 @!p1 $0x1082;
	[sflag:s4] =	ssyncset.s32 $0xFFFFF086  }
0x25: {  	[simem:s6], [sflag:s4] =	dma.local [hbm:s3], $0xF7A  }
0x26: {  	[smem:$0x3F94] =	sst s1;
	(tag) =	ssettag s2;
	_ =	strace s9  }
0x27: {  	s1 =	sld [smem:$0x3FA4]  }
0x28: {  	s2 =	sld [smem:$0x3FA5]  }
0x29: {  	s4 =	sld [smem:$0x3FA7]  }
0x2a: {  	p0 =	seq.s32 s5, $0x0;
	s5 =	sld [smem:$0x3FA8]  }
0x2b: {  	s6 =	sld [smem:$0x3FA9]  }
0x2c: {  	s7 =	sld [smem:$0x3FAA]  }
0x2d: {  	s3 =	simm.s32 $0x108;
	s8 =	sld [smem:$0x3FAB]  }
0x2e: {  	s3 =	simm.s32 @!p0 $0x1082;
	s9 =	sld [smem:$0x3FAC]  }
0x2f: {  	lr =	sadd.s32 s0, s3;
	s0 =	sld [smem:$0x3FA3]  }
0x30: {  	s3 =	sld [smem:$0x3FA6]  }
0x31: {  	[smem:$0x3FAF] =	sst s10  }
0x32: {  	s10 =	sld [smem:$0x3FAD];
	_ =	sdelay $0x3  }
0x33: {  	p0 =	seq.s32 s10, $0x1;
	s10 =	sld [smem:$0x3FAF];
	_ =	sdelay $0x3  }
0x34: {  	[smem:$0x3FAF] =	sst s10  }
0x35: {  	s10 =	sld [smem:$0x3FAE];
	_ =	sdelay $0x3  }
0x36: {  	p1 =	seq.s32 s10, $0x1;
	s10 =	sld [smem:$0x3FAF];
	_ =	sdelay $0x3  }
0x37: {  	[smem:$0x3FAF] =	sst s10  }
0x38: {  	s10 =	sld [smem:$0x3FB0]  }
0x39: {  	_ = 	snop;
	(pc) =	sbr.ind lr, $3  }
0x3a: {  	_ = 	snop  }
0x3b: {  	_ = 	snop  }
0x3c: {  	p2 =	seq.s32 s10, $0x1;
	s10 =	sld [smem:$0x3FAF]  }
0x3d: {  	_ =	shalt  }
0x3e: {  	_ =	shalt  }
0x3f: {  	_ =	shalt  }
0x40: {  	_ =	shalt  }
0x41: {  	_ =	shalt  }
0x42: {  	_ =	shalt  }
0x43: {  	_ =	shalt  }
0x44: {  	_ =	shalt  }
0x45: {  	_ =	shalt  }
0x46: {  	_ =	shalt  }
0x47: {  	_ =	shalt  }
0x48: {  	_ =	shalt  }
0x49: {  	_ =	shalt  }
0x4a: {  	_ =	shalt  }
0x4b: {  	_ =	shalt  }
0x4c: {  	_ =	shalt  }
0x4d: {  	_ =	shalt  }
0x4e: {  	_ =	shalt  }
0x4f: {  	_ =	shalt  }
0x50: {  	_ =	shalt  }
0x51: {  	_ =	shalt  }
0x52: {  	_ =	shalt  }
0x53: {  	_ =	shalt  }
0x54: {  	_ =	shalt  }
0x55: {  	_ =	shalt  }
0x56: {  	_ =	shalt  }
0x57: {  	_ =	shalt  }
0x58: {  	_ =	shalt  }
0x59: {  	_ =	shalt  }
0x5a: {  	_ =	shalt  }
0x5b: {  	_ =	shalt  }
0x5c: {  	_ =	shalt  }
0x5d: {  	_ =	shalt  }
0x5e: {  	_ =	shalt  }
0x5f: {  	_ =	shalt  }
0x60: {  	_ =	shalt  }
0x61: {  	_ =	shalt  }
0x62: {  	_ =	shalt  }
0x63: {  	_ =	shalt  }
0x64: {  	_ =	shalt  }
0x65: {  	_ =	shalt  }
0x66: {  	_ =	shalt  }
0x67: {  	_ =	shalt  }
0x68: {  	_ =	shalt  }
0x69: {  	_ =	shalt  }
0x6a: {  	_ =	shalt  }
0x6b: {  	_ =	shalt  }
0x6c: {  	_ =	shalt  }
0x6d: {  	_ =	shalt  }
0x6e: {  	_ =	shalt  }
0x6f: {  	_ =	shalt  }
0x70: {  	_ =	shalt  }
0x71: {  	_ =	shalt  }
0x72: {  	_ =	shalt  }
0x73: {  	_ =	shalt  }
0x74: {  	_ =	shalt  }
0x75: {  	_ =	shalt  }
0x76: {  	_ =	shalt  }
0x77: {  	_ =	shalt  }
0x78: {  	_ =	shalt  }
0x79: {  	_ =	shalt  }
0x7a: {  	_ =	shalt  }
0x7b: {  	_ =	shalt  }
0x7c: {  	_ =	shalt  }
0x7d: {  	_ =	shalt  }
0x7e: {  	_ =	shalt  }
0x7f: {  	_ =	shalt  }
0x80: {  	_ =	shalt  }
0x81: {  	_ =	shalt  }
0x82: {  	_ =	shalt  }
0x83: {  	_ =	shalt  }
0x84: {  	_ =	shalt  }
0x85: {  	_ =	shalt  }
0x86: {  	_ =	shalt  }
0x87: {  	_ =	shalt  }
.Lfunc_end0:
.L_simem_size_0:
called_computation_lowered:
.L_overlay_start_0:
0x88: {  	s2 =	sld [smem:$0x3FD9]  }
0x89: {  	s3 =	sld [smem:$0x3FFE];
	_ =	sdelay $0x1  }
0x8a: {  	s1 =	srdreg.scid  }
0x8b: {  	s0 =	sand.u32 $0x1, s1  }
0x8c: {  	s17 =	sshll.u32 s0, $0xA;
	s2 =	sadd.s32 s3, s2  }
0x8d: {  	s2 =	sadd.s32 s2, s17  }
0x8e: {  	[smem:$0x3FBB] =	sst s2  }
0x8f: {  	_ = 	snop  }
0x90: {  	s2 =	sld [smem:$0x3FD0];
	(tm) =	ssettm $0x1  }
0x91: {  	s18 =	sld [smem:$0x3FFB];
	_ =	sdelay $0x3  }
0x92: {  	_ =	strace s18  }
0x93: {  	s3 =	sld [smem:$0x3FFC];
	_ =	sdelay $0x3  }
0x94: {  	_ =	strace s3  }
0x95: {  	s3 =	sld [smem:$0x3FFD];
	_ =	sdelay $0x3  }
0x96: {  	_ =	strace s3  }
0x97: {  	_ =	strace $0x8FFFFFFF  }
0x98: {  	s19 =	sld [smem:$0x3FDB];
	_ =	sdelay $0x1  }
0x99: {  	s4 =	simm.s32 $_scs_section_size  }
0x9a: {  	s5 =	simm.s32 $_size__tile_overlayer_lowered;
	s6 =	simm.s32 $_tile_overlayer_lowered  }
0x9b: {  	s22 =	simm.s32 $0x1BFF;
	s21 =	sshll.u32 s6, $0x1;
	s3 =	sadd.s32 s4, s19  }
0x9c: {  	s7 =	simm.s32 $0x0;
	s20 =	sshll.u32 s5, $0x1;
	s5 =	sadd.s32 s21, s3  }
0x9d: {  	[timem:s7], [sflag:s22] =	dma.local [hbm:s5], s20  }
0x9e: {  	_ =	swait.ge [sflag:s22], s20  }
0x9f: {  	s4 =	ssub.s32 $0x0, s20;
	[sflag:s22] =	ssyncset.done $0x0  }
0xa0: {  	[sflag:s22] =	ssyncadd.s32 s4;
	_ =	sdelay $0x1  }
0xa1: {  	s23 =	simm.s32 $0x1B8B  }
0xa2: {  	_ =	swait.ge [sflag:s23], $0x1  }
0xa3: {  	[sflag:s23] =	ssyncset.done $0x0  }
0xa4: {  	s25 =	simm.s32 $0x1B8E;
	s24 =	sld [smem:$0x3FFE];
	[sflag:s23] =	ssyncadd.s32 $0xFFFFFFFF  }
0xa5: {  	s26 =	simm.s32 $execute0_lowered;
	[smem:$0x3FD2] =	sst s25  }
0xa6: {  	s5 =	sshll.u32 s26, $0x1;
	_ =	strace $0x80000046;
	[dreg:$0x1] =	wrdreg $0xFFFFFFFF  }
0xa7: {  	s28 =	simm.s32 $_size_execute0_lowered;
	s3 =	sadd.s32 s3, s5;
	[dreg:$0x0] =	wrdreg $0x0  }
0xa8: {  	s5 =	sshll.u32 s28, $0x1;
	[dreg:$0x2] =	wrdreg s3  }
0xa9: {  	[dreg:$0x3] =	wrdreg s5  }
0xaa: {  	[dreg:$0x4] =	wrdreg $0xC0  }
0xab: {  	_ =	task [dreg:s7], $0x5FFFF  }
0xac: {  	[dreg:$0x1] =	wrdreg $0xFFFFFFFF  }
0xad: {  	[dreg:$0x0] =	wrdreg $0x60  }
0xae: {  	[dreg:$0x2] =	wrdreg s2  }
0xaf: {  	[dreg:$0x3] =	wrdreg s24  }
0xb0: {  	[dreg:$0x4] =	wrdreg $0x9  }
0xb1: {  	_ =	task.clear_ibuf [dreg:s7], $0x5FFFF;
	_ =	strace $0x90000046  }
0xb2: {  	s29 =	simm.s32 $0x9;
	_ =	strace $0x80000048  }
0xb3: {  	_ =	swait.ge [sflag:s29], $0x1  }
0xb4: {  	[sflag:s29] =	ssyncadd.s32 $0xFFFFFFFF  }
0xb5: {  	_ =	strace $0x90000048  }
0xb6: {  	_ =	sfence  }
0xb7: {  	s30 =	sld [smem:$0x0];
	_ =	sdelay $0x2  }
0xb8: {  	s31 =	sshll.u32 s1, $0xD;
	s1 =	sshrl.u32 s1, $0x2  }
0xb9: {  	s3 =	sand.u32 $0x4000, s31;
	s1 =	sadd.s32 s1, s30  }
0xba: {  	s0 =	sor.u32 s3, s0;
	s1 =	sshll.u32 s1, $0x11  }
0xbb: {  	s0 =	sor.u32 s1, s0  }
0xbc: {  	s0 =	sadd.s32 $0x8F2B, s0  }
0xbd: {  	[sflag:s0] =	ssyncadd.remote.s32 $0x1  }
0xbe: {  	_ =	sfence.sel $0xFFFF  }
0xbf: {  	[dreg:$0x0] =	wrdreg $0xFFFFFFFF;
	(pc) =	sbr.abs _section_cstart, $3  }
0xc0: {  	[dreg:$0x1] =	wrdreg $0xFFFFFFFF  }
0xc1: {  	_ =	task.clear_ibuf [dreg:s7], $0x2FFFF;
	_ =	strace $0x9FFFFFFF  }
0xc2: {  	(tm) =	ssettm $0x7FFFFFFF  }
0xc3: {  	_ =	shalt  }
tec
execute0_lowered:
.L_overlay_start_1:
0x0: {  	(tag) =	ssettag $0x1  }
0x1: {  	s0 =	srdreg.scid;
	s2 =	rddreg [dreg:$0x0]  }
0x2: {  	s4 =	stileid.u32;
	s5 =	rddreg [dreg:$0x1];
	s3 =	simm.s32 $0x0  }
0x3: {  	s25 =	simm.s32 $0x3000;
	s26 =	simm.s32 $0x3800;
	s31 =	simm.s32 $0x4000  }
0x4: {  	s10 =	simm.s32 $0x2800;
	s11 =	simm.s32 $0x4800;
	s12 =	simm.s32 $0x5000  }
0x5: {  	s13 =	simm.s32 $0x5800;
	s14 =	simm.s32 $0x6000;
	s15 =	simm.s32 $0x6800  }
0x6: {  	s16 =	simm.s32 $0x7000;
	s17 =	simm.s32 $0x7800;
	s18 =	simm.s32 $0x8000  }
0x7: {  	s19 =	simm.s32 $0x8800;
	s20 =	simm.s32 $0x9000;
	s21 =	simm.s32 $0x9800  }
0x8: {  	s28 =	simm.s32 $0x1;
	s29 =	simm.s32 $0x2;
	s30 =	simm.s32 $0x0  }
0x9: {  	s0 =	sand.u32 $0x1, s0;
	s1 =	sshll.u32 s4, $0x1;
	[smem:$0x7FF] =	sst s3  }
0xa: {  	s6 =	smul.u32 $0x50000, s4;
	_ =	strace $0x80000047;
	[dreg:$0x5] =	wrdreg s25  }
0xb: {  	s4 =	sadd.s32 $0x11600, s5;
	s1 =	sor.u32 s0, s1;
	[dreg:$0x6] =	wrdreg s26  }
0xc: {  	s7 =	smul.u32 $0x28000, s0;
	s0 =	ssub.s32 $0x2, s0;
	[dreg:$0x7] =	wrdreg s31  }
0xd: {  	s25 =	simm.s32 $0xB800;
	s26 =	simm.s32 $0xC000;
	s6 =	sadd.s32 s6, s5  }
0xe: {  	s1 =	smul.u32 $0x1400, s1;
	s22 =	sshrl.u32 s0, $0x1;
	s7 =	sadd.s32 s7, s6  }
0xf: {  	s0 =	ssub.s32 s0, s22;
	s22 =	simm.s32 $0xA000;
	s8 =	sadd.s32 $0x55F800, s7  }
0x10: {  	s1 =	sshrl.u32 s1, $0x3;
	s24 =	sadd.s32 $0x5F800, s7;
	[dreg:$0x3] =	wrdreg s8  }
0x11: {  	v2 =	vlaneseq.u32;
	s7 =	smax.u32 s0, $0x1;
	s1 =	sadd.s32 s1, s5;
	[dreg:$0x4] =	wrdreg s24  }
0x12: {  	vm0 =	vmmov $0xffff;
	v1 =	vshrl.u32 v2, $0x3;
	s8 =	simm.s32 $0x3;
	s24 =	simm.s32 $0xB000;
	s23 =	sadd.s32 $0xC600, s1  }
0x13: {  	v0 =	vand.u32 $0x7, v2;
	v2 =	vor.u32 $0x8, v2;
	v1 =	vmul.u32 $0x8, v1;
	s6 =	sadd.s32 $0x2600, s1;
	[dreg:$0x8] =	wrdreg s23;
	s23 =	simm.s32 $0xA800  }
.LBB2_1:
0x14: {  	s0 =	rddreg [dreg:$0x8]  }
0x15: {  	[tilespmem:s3], [sflag:$0x3] =	stream.linear.gather [hbm4b:s0+s3], $0x1400, $0x38;
	[tilespmem:$0xC800] =	vst v63  }
0x16: {  	_ =	swait.ge [sflag:s8], $0x1400  }
0x17: {  	[sflag:s8] =	ssyncset.done $0x0  }
0x18: {  	s9 =	simm.s32 $0x1400;
	[sflag:s8] =	ssyncadd.s32 $0xFFFFEC00  }
0x19: {  	[tilespmem:s9], [sflag:$0x3] =	stream.linear.gather [hbm4b:s6+s3], $0x1400, $0x38;
	[tilespmem:$0xC800] =	vst v63  }
0x1a: {  	_ =	swait.ge [sflag:s8], $0x1400  }
0x1b: {  	s31 =	simm.s32 $0x1428;
	[sflag:s8] =	ssyncset.done $0x0  }
0x1c: {  	s1 =	simm.s32 $0x28;
	s0 =	simm.s32 $0x0;
	[sflag:s8] =	ssyncadd.s32 $0xFFFFEC00  }
.LBB2_2:
0x1d: {  	p0 =	seq.s32 s0, $0x0  }
0x1e: {  	s9 =	simm.s32 @!p0 $0x2  }
0x1f: {  	_ =	swait.ge @!p0 [sflag:s9], $0x2800  }
0x20: {  	[sflag:s9] =	ssyncset.done @!p0 $0x0  }
0x21: {  	[sflag:s9] =	ssyncadd.s32 @!p0 $0xFFFFD800  }
0x22: {  	_ =	swait.ge @!p0 [sflag:s9], $0x2800  }
0x23: {  	[sflag:s9] =	ssyncset.done @!p0 $0x0  }
0x24: {  	[sflag:s9] =	ssyncadd.s32 @!p0 $0xFFFFD800  }
0x25: {  	_ =	swait.ge @!p0 [sflag:s9], $0x2800  }
0x26: {  	[sflag:s9] =	ssyncset.done @!p0 $0x0  }
0x27: {  	[sflag:s9] =	ssyncadd.s32 @!p0 $0xFFFFD800  }
0x28: {  	_ =	swait.ge @!p0 [sflag:s9], $0x2800  }
0x29: {  	[sflag:s9] =	ssyncset.done @!p0 $0x0  }
0x2a: {  	[sflag:s9] =	ssyncadd.s32 @!p0 $0xFFFFD800  }
0x2b: {  	v3 =	vld [tilespmem:s1+$0xFFFFFFD8];
	_ =	sdelay $0x4  }
0x2c: {  	v4 =	vshll.u32 v3, $0x1  }
0x2d: {  	v3 =	vand.u32 $0x7, v3;
	v4 =	vand.u32 $0xFFFFFFF0, v4  }
0x2e: {  	v3 =	vor.u32 v3, v4  }
0x2f: {  	v4 =	vperm.xlane v3, v0;
	_ =	sdelay $0x1  }
0x30: {  	v3 =	vperm.xlane v3, v2;
	v4 =	vadd.s32 v1, v4;
	_ =	sdelay $0x1  }
0x31: {  	v3 =	vadd.s32 v1, v3;
	_ =	sdelay $0x2  }
0x32: {  	[tilespmem:s10], [sflag:$0x1] =	stream.indirect_vreg.gather [hbm4b:s2+s3], $0x80, v4, vm0, $0xb8;
	[tilespmem:$0xC800] =	vst v63  }
0x33: {  	s5 =	rddreg [dreg:$0x5]  }
0x34: {  	[tilespmem:s5], [sflag:$0x1] =	stream.indirect_vreg.gather [hbm4b:s2+s3], $0x80, v3, vm0, $0xb8;
	[tilespmem:$0xC800] =	vst v63  }
0x35: {  	v3 =	vld [tilespmem:s1+$0xFFFFFFE8];
	_ =	sdelay $0x4  }
0x36: {  	v53 =	vshll.u32 v3, $0x1  }
0x37: {  	v3 =	vand.u32 $0x7, v3;
	v4 =	vand.u32 $0xFFFFFFF0, v53  }
0x38: {  	v3 =	vor.u32 v3, v4  }
0x39: {  	v4 =	vperm.xlane v3, v0;
	_ =	sdelay $0x1  }
0x3a: {  	v3 =	vperm.xlane v3, v2;
	v4 =	vadd.s32 v1, v4;
	_ =	sdelay $0x1  }
0x3b: {  	v3 =	vadd.s32 v1, v3;
	_ =	sdelay $0x1  }
0x3c: {  	s9 =	rddreg [dreg:$0x6]  }
0x3d: {  	[tilespmem:s9], [sflag:$0x1] =	stream.indirect_vreg.gather [hbm4b:s2+s3], $0x80, v4, vm0, $0xb8;
	[tilespmem:$0xC800] =	vst v63  }
0x3e: {  	s5 =	rddreg [dreg:$0x7]  }
0x3f: {  	[tilespmem:s5], [sflag:$0x1] =	stream.indirect_vreg.gather [hbm4b:s2+s3], $0x80, v3, vm0, $0xb8;
	[tilespmem:$0xC800] =	vst v63  }
0x40: {  	v3 =	vld.msk [tilespmem:s1+$0xFFFFFFF8], $0xff;
	_ =	sdelay $0x4  }
0x41: {  	v54 =	vshll.u32 v3, $0x1  }
0x42: {  	v3 =	vand.u32 $0x7, v3;
	v4 =	vand.u32 $0xFFFFFFF0, v54  }
0x43: {  	v3 =	vor.u32 v3, v4  }
0x44: {  	v3 =	vperm.xlane v3, v0;
	_ =	sdelay $0x1  }
0x45: {  	v3 =	vadd.s32 v1, v3;
	_ =	sdelay $0x4  }
0x46: {  	[tilespmem:s11], [sflag:$0x1] =	stream.indirect_vreg.gather [hbm4b:s2+s3], $0x80, v3, vm0, $0xb8;
	[tilespmem:$0xC800] =	vst v63  }
0x47: {  	v3 =	vld [tilespmem:s31+$0xFFFFFFD8];
	_ =	sdelay $0x4  }
0x48: {  	v55 =	vshll.u32 v3, $0x1  }
0x49: {  	v3 =	vand.u32 $0x7, v3;
	v4 =	vand.u32 $0xFFFFFFF0, v55  }
0x4a: {  	v3 =	vor.u32 v3, v4  }
0x4b: {  	v4 =	vperm.xlane v3, v0;
	_ =	sdelay $0x1  }
0x4c: {  	v3 =	vperm.xlane v3, v2;
	v4 =	vadd.s32 v1, v4;
	_ =	sdelay $0x1  }
0x4d: {  	v3 =	vadd.s32 v1, v3;
	_ =	sdelay $0x2  }
0x4e: {  	[tilespmem:s12], [sflag:$0x1] =	stream.indirect_vreg.gather [hbm4b:s4+s3], $0x80, v4, vm0, $0xb8;
	[tilespmem:$0xC800] =	vst v63  }
0x4f: {  	_ = 	snop  }
0x50: {  	[tilespmem:s13], [sflag:$0x1] =	stream.indirect_vreg.gather [hbm4b:s4+s3], $0x80, v3, vm0, $0xb8;
	[tilespmem:$0xC800] =	vst v63  }
0x51: {  	v3 =	vld [tilespmem:s31+$0xFFFFFFE8];
	_ =	sdelay $0x4  }
0x52: {  	v56 =	vshll.u32 v3, $0x1  }
0x53: {  	v3 =	vand.u32 $0x7, v3;
	v4 =	vand.u32 $0xFFFFFFF0, v56  }
0x54: {  	v3 =	vor.u32 v3, v4  }
0x55: {  	v4 =	vperm.xlane v3, v0;
	_ =	sdelay $0x1  }
0x56: {  	v3 =	vperm.xlane v3, v2;
	v4 =	vadd.s32 v1, v4;
	_ =	sdelay $0x1  }
0x57: {  	v3 =	vadd.s32 v1, v3;
	_ =	sdelay $0x2  }
0x58: {  	[tilespmem:s14], [sflag:$0x1] =	stream.indirect_vreg.gather [hbm4b:s4+s3], $0x80, v4, vm0, $0xb8;
	[tilespmem:$0xC800] =	vst v63  }
0x59: {  	_ = 	snop  }
0x5a: {  	[tilespmem:s15], [sflag:$0x1] =	stream.indirect_vreg.gather [hbm4b:s4+s3], $0x80, v3, vm0, $0xb8;
	[tilespmem:$0xC800] =	vst v63  }
0x5b: {  	v3 =	vld.msk [tilespmem:s31+$0xFFFFFFF8], $0xff;
	_ =	sdelay $0x4  }
0x5c: {  	v57 =	vshll.u32 v3, $0x1  }
0x5d: {  	v3 =	vand.u32 $0x7, v3;
	v4 =	vand.u32 $0xFFFFFFF0, v57  }
0x5e: {  	v3 =	vor.u32 v3, v4  }
0x5f: {  	v3 =	vperm.xlane v3, v0;
	_ =	sdelay $0x1  }
0x60: {  	v3 =	vadd.s32 v1, v3;
	_ =	sdelay $0x4  }
0x61: {  	[tilespmem:s16], [sflag:$0x1] =	stream.indirect_vreg.gather [hbm4b:s4+s3], $0x80, v3, vm0, $0xb8;
	[tilespmem:$0xC800] =	vst v63  }
0x62: {  	v3 =	vld [tilespmem:s1+$0x0];
	_ =	sdelay $0x4  }
0x63: {  	v58 =	vshll.u32 v3, $0x1  }
0x64: {  	v3 =	vand.u32 $0x7, v3;
	v4 =	vand.u32 $0xFFFFFFF0, v58  }
0x65: {  	v3 =	vor.u32 v3, v4  }
0x66: {  	v4 =	vperm.xlane v3, v0;
	_ =	sdelay $0x1  }
0x67: {  	v3 =	vperm.xlane v3, v2;
	v4 =	vadd.s32 v1, v4;
	_ =	sdelay $0x1  }
0x68: {  	v3 =	vadd.s32 v1, v3;
	_ =	sdelay $0x2  }
0x69: {  	[tilespmem:s17], [sflag:$0x1] =	stream.indirect_vreg.gather [hbm4b:s2+s3], $0x80, v4, vm0, $0xb8;
	[tilespmem:$0xC800] =	vst v63  }
0x6a: {  	_ = 	snop  }
0x6b: {  	[tilespmem:s18], [sflag:$0x1] =	stream.indirect_vreg.gather [hbm4b:s2+s3], $0x80, v3, vm0, $0xb8;
	[tilespmem:$0xC800] =	vst v63  }
0x6c: {  	v3 =	vld [tilespmem:s1+$0x10];
	_ =	sdelay $0x4  }
0x6d: {  	v59 =	vshll.u32 v3, $0x1  }
0x6e: {  	v3 =	vand.u32 $0x7, v3;
	v4 =	vand.u32 $0xFFFFFFF0, v59  }
0x6f: {  	v3 =	vor.u32 v3, v4  }
0x70: {  	v4 =	vperm.xlane v3, v0;
	_ =	sdelay $0x1  }
0x71: {  	v3 =	vperm.xlane v3, v2;
	v4 =	vadd.s32 v1, v4;
	_ =	sdelay $0x1  }
0x72: {  	v3 =	vadd.s32 v1, v3;
	_ =	sdelay $0x2  }
0x73: {  	[tilespmem:s19], [sflag:$0x1] =	stream.indirect_vreg.gather [hbm4b:s2+s3], $0x80, v4, vm0, $0xb8;
	[tilespmem:$0xC800] =	vst v63  }
0x74: {  	_ = 	snop  }
0x75: {  	[tilespmem:s20], [sflag:$0x1] =	stream.indirect_vreg.gather [hbm4b:s2+s3], $0x80, v3, vm0, $0xb8;
	[tilespmem:$0xC800] =	vst v63  }
0x76: {  	v3 =	vld.msk [tilespmem:s1+$0x20], $0xff;
	_ =	sdelay $0x4  }
0x77: {  	v60 =	vshll.u32 v3, $0x1  }
0x78: {  	v3 =	vand.u32 $0x7, v3;
	v4 =	vand.u32 $0xFFFFFFF0, v60  }
0x79: {  	v3 =	vor.u32 v3, v4  }
0x7a: {  	v3 =	vperm.xlane v3, v0;
	_ =	sdelay $0x1  }
0x7b: {  	v3 =	vadd.s32 v1, v3;
	_ =	sdelay $0x4  }
0x7c: {  	[tilespmem:s21], [sflag:$0x1] =	stream.indirect_vreg.gather [hbm4b:s2+s3], $0x80, v3, vm0, $0xb8;
	[tilespmem:$0xC800] =	vst v63  }
0x7d: {  	v3 =	vld [tilespmem:s31+$0x0];
	_ =	sdelay $0x4  }
0x7e: {  	v61 =	vshll.u32 v3, $0x1  }
0x7f: {  	v3 =	vand.u32 $0x7, v3;
	v4 =	vand.u32 $0xFFFFFFF0, v61  }
0x80: {  	v3 =	vor.u32 v3, v4  }
0x81: {  	v4 =	vperm.xlane v3, v0;
	_ =	sdelay $0x1  }
0x82: {  	v3 =	vperm.xlane v3, v2;
	v4 =	vadd.s32 v1, v4;
	_ =	sdelay $0x1  }
0x83: {  	v3 =	vadd.s32 v1, v3;
	_ =	sdelay $0x2  }
0x84: {  	[tilespmem:s22], [sflag:$0x1] =	stream.indirect_vreg.gather [hbm4b:s4+s3], $0x80, v4, vm0, $0xb8;
	[tilespmem:$0xC800] =	vst v63  }
0x85: {  	_ = 	snop  }
0x86: {  	[tilespmem:s23], [sflag:$0x1] =	stream.indirect_vreg.gather [hbm4b:s4+s3], $0x80, v3, vm0, $0xb8;
	[tilespmem:$0xC800] =	vst v63  }
0x87: {  	v3 =	vld [tilespmem:s31+$0x10];
	_ =	sdelay $0x4  }
0x88: {  	v62 =	vshll.u32 v3, $0x1  }
0x89: {  	v3 =	vand.u32 $0x7, v3;
	v4 =	vand.u32 $0xFFFFFFF0, v62  }
0x8a: {  	v3 =	vor.u32 v3, v4  }
0x8b: {  	v4 =	vperm.xlane v3, v0;
	_ =	sdelay $0x1  }
0x8c: {  	v3 =	vperm.xlane v3, v2;
	v4 =	vadd.s32 v1, v4;
	_ =	sdelay $0x1  }
0x8d: {  	v3 =	vadd.s32 v1, v3;
	_ =	sdelay $0x2  }
0x8e: {  	[tilespmem:s24], [sflag:$0x1] =	stream.indirect_vreg.gather [hbm4b:s4+s3], $0x80, v4, vm0, $0xb8;
	[tilespmem:$0xC800] =	vst v63  }
0x8f: {  	_ = 	snop  }
0x90: {  	[tilespmem:s25], [sflag:$0x1] =	stream.indirect_vreg.gather [hbm4b:s4+s3], $0x80, v3, vm0, $0xb8;
	[tilespmem:$0xC800] =	vst v63  }
0x91: {  	v3 =	vld.msk [tilespmem:s31+$0x20], $0xff;
	_ =	sdelay $0x4  }
0x92: {  	v63 =	vshll.u32 v3, $0x1  }
0x93: {  	v3 =	vand.u32 $0x7, v3;
	v4 =	vand.u32 $0xFFFFFFF0, v63  }
0x94: {  	v3 =	vor.u32 v3, v4  }
0x95: {  	v3 =	vperm.xlane v3, v0;
	_ =	sdelay $0x1  }
0x96: {  	v3 =	vadd.s32 v1, v3;
	_ =	sdelay $0x4  }
0x97: {  	[tilespmem:s26], [sflag:$0x1] =	stream.indirect_vreg.gather [hbm4b:s4+s3], $0x80, v3, vm0, $0xb8;
	[tilespmem:$0xC800] =	vst v63  }
0x98: {  	_ =	swait.ge [sflag:s28], $0x2800  }
0x99: {  	[sflag:s28] =	ssyncset.done $0x0  }
0x9a: {  	[sflag:s28] =	ssyncadd.s32 $0xFFFFD800  }
0x9b: {  	_ =	swait.ge [sflag:s28], $0x2800  }
0x9c: {  	[sflag:s28] =	ssyncset.done $0x0  }
0x9d: {  	[sflag:s28] =	ssyncadd.s32 $0xFFFFD800  }
0x9e: {  	_ =	swait.ge [sflag:s28], $0x2800  }
0x9f: {  	[sflag:s28] =	ssyncset.done $0x0  }
0xa0: {  	[sflag:s28] =	ssyncadd.s32 $0xFFFFD800  }
0xa1: {  	_ =	swait.ge [sflag:s28], $0x2800  }
0xa2: {  	s5 =	rddreg [dreg:$0x4];
	[sflag:s28] =	ssyncset.done $0x0  }
0xa3: {  	s9 =	rddreg [dreg:$0x3];
	[sflag:s28] =	ssyncadd.s32 $0xFFFFD800  }
0xa4: {  	s5 =	sadd.s32 s0, s5;
	s9 =	sadd.s32 s0, s9;
	s0 =	sadd.s32 $0xA00, s0  }
0xa5: {  	[hbm4b:s5+s3] =	stream.linear.scatter [tilespmem:s10], [sflag:$0x2], $0x2800, $0x38;
	[tilespmem:$0xC800] =	vst v63  }
0xa6: {  	p0 =	sne.s32 s0, $0x28000  }
0xa7: {  	[hbm4b:s9+s3] =	stream.linear.scatter [tilespmem:s12], [sflag:$0x2], $0x2800, $0x38;
	[tilespmem:$0xC800] =	vst v63  }
.Ltmp0:
0xa8: {  	_ = 	snop;
	(pc) =	sbr.rel @p0 .LBB2_2-.Ltmp0, $4  }
0xa9: {  	s5 =	sadd.s32 $0x500, s5  }
0xaa: {  	[hbm4b:s5+s3] =	stream.linear.scatter [tilespmem:s17], [sflag:$0x2], $0x2800, $0x38;
	[tilespmem:$0xC800] =	vst v63  }
0xab: {  	s1 =	sadd.s32 $0x50, s1;
	s31 =	sadd.s32 $0x50, s31;
	s9 =	sadd.s32 $0x500, s9  }
0xac: {  	[hbm4b:s9+s3] =	stream.linear.scatter [tilespmem:s22], [sflag:$0x2], $0x2800, $0x38;
	[tilespmem:$0xC800] =	vst v63  }
0xad: {  	_ =	swait.ge [sflag:s29], $0x2800  }
0xae: {  	[sflag:s29] =	ssyncset.done $0x0  }
0xaf: {  	[sflag:s29] =	ssyncadd.s32 $0xFFFFD800  }
0xb0: {  	_ =	swait.ge [sflag:s29], $0x2800  }
0xb1: {  	[sflag:s29] =	ssyncset.done $0x0  }
0xb2: {  	s30 =	sadd.s32 $0x1, s30;
	[sflag:s29] =	ssyncadd.s32 $0xFFFFD800  }
0xb3: {  	p0 =	sne.s32 s30, s7;
	_ =	swait.ge [sflag:s29], $0x2800  }
.Ltmp1:
0xb4: {  	[sflag:s29] =	ssyncset.done $0x0;
	(pc) =	sbr.rel @p0 .LBB2_1-.Ltmp1, $4  }
0xb5: {  	[sflag:s29] =	ssyncadd.s32 $0xFFFFD800  }
0xb6: {  	_ =	swait.ge [sflag:s29], $0x2800  }
0xb7: {  	[sflag:s29] =	ssyncset.done $0x0  }
0xb8: {  	[sflag:s29] =	ssyncadd.s32 $0xFFFFD800  }
0xb9: {  	_ =	sfence.sel $0x180000  }
0xba: {  	[bflag:$0x0] =	sbarrier.arrive $0xFFFF  }
0xbb: {  	_ =	strace $0x90000047  }
0xbc: {  	s0 =	stileid.u32;
	[bflag:$0x2] =	sbarrier.arrive $0xFFFF  }
0xbd: {  	p0 =	sne.s32 s0, $0x0;
	s0 =	rddreg [dreg:$0x2]  }
0xbe: {  	s0 =	sadd.s32 @!p0 $0x100000, s0  }
0xbf: {  	[sflag:s0] =	ssyncadd.tile.s32 @!p0 $0x1;
	_ =	shalt  }
.Lfunc_end2:
_tile_overlayer_lowered:
.L_overlay_start_2:
0xc0: {  	(tag) =	ssettag $0x2  }
0xc1: {  	s0 =	rddreg [dreg:$0x0];
	s2 =	stileid.u32  }
0xc2: {  	s1 =	rddreg [dreg:$0x1];
	p0 =	sne.s32 s2, $0x0  }
0xc3: {  	s3 =	rddreg [dreg:$0x2];
	[bflag:$0x3] =	sbarrier.arrive $0xFFFF;
	s2 =	simm.s32 @!p0 $0x1C03  }
0xc4: {  	[timem:s3], [sflag:s2] =	dma.local @!p0 [hbm:s0], s1  }
0xc5: {  	s0 =	simm.s32 @!p0 $0x3  }
0xc6: {  	_ =	swait.ge @!p0 [sflag:s0], s1  }
0xc7: {  	s1 =	ssub.s32 @!p0 $0x0, s1;
	[sflag:s0] =	ssyncset.done @!p0 $0x0  }
0xc8: {  	[sflag:s0] =	ssyncadd.s32 @!p0 s1  }
0xc9: {  	[bflag:$0x3] =	sbarrier.arrive $0xFFFF  }
0xca: {  	_ =	shalt  }

</sc_bundles>
